<compile_context>
chip_gen: v7x
topology: tpu7x:2x2x1
jax: 0.10.2.dev20260603
libtpu: 0.0.44.dev20260713+nightly
codegen_flags: <defaults>
</compile_context>

<pallas_src>
import functools

import jax
import jax.numpy as jnp
from jax import lax
from jax.experimental import pallas as pl
from jax.experimental.pallas import tpu as pltpu
from jax.experimental.pallas import tpu_sc as plsc

_NC = 2
_NS = 16
_NW = _NC * _NS
_CHUNK = 1000
_BQ = 2000


def _proj_body(nodes_ref, wr_ref, ws_ref, glob_ref, wg_ref, b_ref,
               pr_ref, ps_ref, c_ref):
    n = nodes_ref[...]
    hi = jax.lax.Precision.HIGHEST
    pr_ref[...] = jnp.dot(n, wr_ref[...], precision=hi,
                          preferred_element_type=jnp.float32)
    ps_ref[...] = jnp.dot(n, ws_ref[...], precision=hi,
                          preferred_element_type=jnp.float32)
    c_ref[...] = jnp.dot(glob_ref[...], wg_ref[...], precision=hi,
                         preferred_element_type=jnp.float32) + b_ref[...]


def _sc_body(nchunk, pack, d_out, pr_hbm, ps_hbm, recv_hbm, send_hbm,
             g_hbm, ridx0, sidx0, rrows0, srows0, ridx1, sidx1, rrows1,
             srows1, sem_r0, sem_s0, sem_st0, sem_r1, sem_s1, sem_st1):
    wid = lax.axis_index("c") * _NS + lax.axis_index("s")
    bufs = ((ridx0, sidx0, rrows0, srows0, sem_r0, sem_s0, sem_st0),
            (ridx1, sidx1, rrows1, srows1, sem_r1, sem_s1, sem_st1))

    def issue(ci, b):
        ri, si, rr, sr, semr, sems, _ = bufs[b]
        off = (wid + ci * _NW) * _CHUNK
        pltpu.sync_copy(recv_hbm.at[pl.ds(off, _CHUNK)], ri)
        pltpu.sync_copy(send_hbm.at[pl.ds(off, _CHUNK)], si)
        pltpu.async_copy(pr_hbm.at[ri], rr, semr)
        pltpu.async_copy(ps_hbm.at[si], sr, sems)

    def finish(ci, b):
        ri, si, rr, sr, semr, sems, semst = bufs[b]
        pltpu.make_async_copy(pr_hbm.at[ri], rr, semr).wait()
        pltpu.make_async_copy(ps_hbm.at[si], sr, sems).wait()

        def row_body(r, carry2):
            e = r * 4
            for k in range(4):
                rr[e + k, :] = rr[e + k, :] + sr[e + k, :]
            return carry2

        lax.fori_loop(0, _CHUNK // 4, row_body, 0)
        off = (wid + ci * _NW) * _CHUNK
        band = (off // _BQ) % pack
        r0 = (off // (_BQ * pack)) * _BQ + (off % _BQ)
        pltpu.async_copy(
            rr, g_hbm.at[pl.ds(r0, _CHUNK), pl.ds(band * d_out, d_out)],
            semst)

    def drain_store(b):
        rr, semst = bufs[b][2], bufs[b][6]
        pltpu.make_async_copy(
            rr, g_hbm.at[pl.ds(0, _CHUNK), pl.ds(0, d_out)], semst).wait()

    issue(0, 0)
    issue(1, 1)

    def pair_body(j, carry):
        for h in range(2):
            ci = j * 2 + h

            finish(ci, h)

            @pl.when(ci + 2 < nchunk)
            def _(h=h, ci=ci):
                drain_store(h)
                issue(ci + 2, h)

        return carry

    lax.fori_loop(0, nchunk // 2, pair_body, 0)
    drain_store(0)
    drain_store(1)


def _combine_body(pack, et_ref, g_ref, wet_ref, ct_ref, eye_ref, ot_ref):
    hi = jax.lax.Precision.HIGHEST
    edge_term = jnp.dot(wet_ref[...], et_ref[...], precision=hi,
                        preferred_element_type=jnp.float32)
    d_out = 128 // pack
    ct = ct_ref[...]
    g_t = jax.lax.dot_general(
        eye_ref[...], g_ref[...], (((1,), (1,)), ((), ())),
        preferred_element_type=jnp.float32)
    for k in range(pack):
        ot_ref[:, k * _BQ:(k + 1) * _BQ] = (
            edge_term[:, k * _BQ:(k + 1) * _BQ]
            + g_t[k * d_out:(k + 1) * d_out, :] + ct)


def kernel(edges, nodes, globals_, receivers, senders, W, b):
    E, d_edge = edges.shape
    N, d_node = nodes.shape
    d_glob = globals_.shape[-1]
    d_out = W.shape[-1]
    f32 = jnp.float32
    pack = 128 // d_out

    we = W[:d_edge]
    wr = W[d_edge:d_edge + d_node]
    ws = W[d_edge + d_node:d_edge + 2 * d_node]
    wg = W[d_edge + 2 * d_node:]
    b2 = b.reshape(1, d_out)

    recv32 = receivers.astype(jnp.int32)
    send32 = senders.astype(jnp.int32)

    nblk = 2000
    pr, ps, c = pl.pallas_call(
        _proj_body,
        grid=(N // nblk,),
        in_specs=[pl.BlockSpec((nblk, d_node), lambda i: (i, 0)),
                  pl.BlockSpec((d_node, d_out), lambda i: (0, 0)),
                  pl.BlockSpec((d_node, d_out), lambda i: (0, 0)),
                  pl.BlockSpec((1, d_glob), lambda i: (0, 0)),
                  pl.BlockSpec((d_glob, d_out), lambda i: (0, 0)),
                  pl.BlockSpec((1, d_out), lambda i: (0, 0))],
        out_specs=[pl.BlockSpec((nblk, d_out), lambda i: (i, 0)),
                   pl.BlockSpec((nblk, d_out), lambda i: (i, 0)),
                   pl.BlockSpec((1, d_out), lambda i: (0, 0))],
        out_shape=[jax.ShapeDtypeStruct((N, d_out), f32),
                   jax.ShapeDtypeStruct((N, d_out), f32),
                   jax.ShapeDtypeStruct((1, d_out), f32)],
    )(nodes, wr, ws, globals_, wg, b2)

    nchunk = E // _CHUNK // _NW
    grows = E // pack
    mesh = plsc.VectorSubcoreMesh(core_axis_name="c", subcore_axis_name="s")
    sc = pl.kernel(
        functools.partial(_sc_body, nchunk, pack, d_out),
        mesh=mesh,
        compiler_params=pltpu.CompilerParams(use_tc_tiling_on_sc=False),
        out_type=jax.ShapeDtypeStruct((grows, 128), f32),
        scratch_types=[
            pltpu.VMEM((_CHUNK,), jnp.int32),
            pltpu.VMEM((_CHUNK,), jnp.int32),
            pltpu.VMEM((_CHUNK, d_out), f32),
            pltpu.VMEM((_CHUNK, d_out), f32),
            pltpu.VMEM((_CHUNK,), jnp.int32),
            pltpu.VMEM((_CHUNK,), jnp.int32),
            pltpu.VMEM((_CHUNK, d_out), f32),
            pltpu.VMEM((_CHUNK, d_out), f32),
            pltpu.SemaphoreType.DMA,
            pltpu.SemaphoreType.DMA,
            pltpu.SemaphoreType.DMA,
            pltpu.SemaphoreType.DMA,
            pltpu.SemaphoreType.DMA,
            pltpu.SemaphoreType.DMA,
        ],
    )
    g = sc(pr, ps, recv32, send32)

    et = edges.T
    wet = we.T
    ct = c.T
    eye128 = jnp.eye(128, dtype=f32)
    eb = pack * _BQ
    out_t = pl.pallas_call(
        functools.partial(_combine_body, pack),
        grid=(E // eb,),
        in_specs=[
            pl.BlockSpec((d_out, eb), lambda i: (0, i)),
            pl.BlockSpec((_BQ, 128), lambda i: (i, 0)),
            pl.BlockSpec((d_out, d_out), lambda i: (0, 0)),
            pl.BlockSpec((d_out, 1), lambda i: (0, 0)),
            pl.BlockSpec((128, 128), lambda i: (0, 0)),
        ],
        out_specs=pl.BlockSpec((d_out, eb), lambda i: (0, i)),
        out_shape=jax.ShapeDtypeStruct((d_out, E), f32),
    )(et, g, wet, ct, eye128)
    return out_t.T

# --- scband reference (transcript-rebuilt; emitter-appended) ---
"""Pipeline reference for scband-edge-block-19877108646538 (READ-ONLY COPY).

The authoritative reference and input builder live on the scoring server;
editing this copy changes nothing except your own understanding.
"""

import jax, jax.numpy as jnp
import numpy as np

E = 320000
N = 10000
D_EDGE = 16
D_NODE = 128
D_GLOB = 16
D_IN = D_EDGE + 2 * D_NODE + D_GLOB  # 288
D_OUT = 16


def setup_inputs(seed: int = 0) -> dict:
    key = jax.random.key(seed)
    k1, k2, k3, k4, k5, k6 = jax.random.split(key, 6)
    edges = jax.random.normal(k1, (E, D_EDGE), dtype=jnp.float32)
    nodes = jax.random.normal(k2, (N, D_NODE), dtype=jnp.float32)
    globals_ = jax.random.normal(k3, (1, D_GLOB), dtype=jnp.float32)
    receivers = jax.random.randint(k4, (E,), 0, N)
    senders = jax.random.randint(k5, (E,), 0, N)
    # edge_model = nn.Linear(D_IN, D_OUT) parameters
    W = jax.random.normal(k6, (D_IN, D_OUT), dtype=jnp.float32) * (1.0 / np.sqrt(D_IN))
    b = jnp.zeros((D_OUT,), dtype=jnp.float32)
    return {"edges": edges, "nodes": nodes, "globals_": globals_,
            "receivers": receivers, "senders": senders, "W": W, "b": b}


def reference(edges, nodes, globals_, receivers, senders, W, b):
    # EdgeBlock.forward
    edges_to_collect = []
    # use_edges
    edges_to_collect.append(edges)
    # broadcast_receiver_nodes_to_edges: gather node features at receiver indices
    edges_to_collect.append(jnp.take(nodes, receivers, axis=0))
    # broadcast_sender_nodes_to_edges: gather node features at sender indices
    edges_to_collect.append(jnp.take(nodes, senders, axis=0))
    # broadcast_globals_to_edges: tile graph-level globals to every edge
    edges_to_collect.append(jnp.broadcast_to(globals_, (edges.shape[0], globals_.shape[-1])))
    collected_edges = jnp.concatenate(edges_to_collect, axis=-1)
    # edge_model: nn.Linear(288, 16)
    updated_edges = collected_edges @ W + b
    return updated_edges

if __name__ == "__main__":
    import jax
    _d = setup_inputs()
    print(jax.jit(kernel)(*tuple(_d.values())))

</pallas_src>

<mosaic_0001>
#map = affine_map<(d0, d1) -> (0, 0)>
#map1 = affine_map<(d0, d1) -> (0)>
module attributes {stable_mosaic.version = 14 : i64} {
  func.func @_sc_body(%arg0: i32, %arg1: i32, %arg2: memref<10000x16xf32, #tpu.memory_space<hbm>>, %arg3: memref<10000x16xf32, #tpu.memory_space<hbm>>, %arg4: memref<320000xi32, #tpu.memory_space<hbm>>, %arg5: memref<320000xi32, #tpu.memory_space<hbm>>, %arg6: memref<40000x128xf32, #tpu.memory_space<hbm>>, %arg7: memref<1000xi32, #tpu.memory_space<vmem>>, %arg8: memref<1000xi32, #tpu.memory_space<vmem>>, %arg9: memref<1000x16xf32, #tpu.memory_space<vmem>>, %arg10: memref<1000x16xf32, #tpu.memory_space<vmem>>, %arg11: memref<1000xi32, #tpu.memory_space<vmem>>, %arg12: memref<1000xi32, #tpu.memory_space<vmem>>, %arg13: memref<1000x16xf32, #tpu.memory_space<vmem>>, %arg14: memref<1000x16xf32, #tpu.memory_space<vmem>>, %arg15: memref<!tpu.dma_semaphore, #tpu.memory_space<semaphore_mem>>, %arg16: memref<!tpu.dma_semaphore, #tpu.memory_space<semaphore_mem>>, %arg17: memref<!tpu.dma_semaphore, #tpu.memory_space<semaphore_mem>>, %arg18: memref<!tpu.dma_semaphore, #tpu.memory_space<semaphore_mem>>, %arg19: memref<!tpu.dma_semaphore, #tpu.memory_space<semaphore_mem>>, %arg20: memref<!tpu.dma_semaphore, #tpu.memory_space<semaphore_mem>>) attributes {dimension_semantics = [#tpu.dimension_semantics<core_parallel>, #tpu.dimension_semantics<subcore_parallel>], iteration_bounds = array<i64: 2, 16>, scalar_prefetch = 0 : i64, scratch_operands = 14 : i64, tpu.core_type = #tpu.core_type<sc_vector_subcore>, window_params = [{transform_indices = #map}, {transform_indices = #map}, {transform_indices = #map1}, {transform_indices = #map1}, {transform_indices = #map}]} {
    %mul3A = arith.constant 16 : i32
    %mul3A_0 = arith.muli %arg0, %mul3A : i32
    %add3A = arith.addi %mul3A_0, %arg1 : i32
    %add3A_1 = arith.constant 0 : i32
    %add3A_2 = arith.addi %add3A, %add3A_1 : i32
    %mul3A_3 = arith.constant 1000 : i32
    %mul3A_4 = arith.muli %add3A_2, %mul3A_3 : i32
    "tpu.region"() ({
      %run_scoped3A = tpu.sem_alloc : memref<!tpu.dma_semaphore, #tpu.memory_space<semaphore_mem>>
      %dma_start3A_36 = tpu.memref_slice %arg4[%mul3A_4] : memref<320000xi32, #tpu.memory_space<hbm>> -> memref<1000xi32, #tpu.memory_space<hbm>>
      %dma_start3A_37 = tpu.memref_slice %arg4[%mul3A_4] : memref<320000xi32, #tpu.memory_space<hbm>> -> memref<1000xi32, #tpu.memory_space<hbm>>
      tpu.enqueue_dma source(%dma_start3A_37 : memref<1000xi32, #tpu.memory_space<hbm>>) target(%arg7 : memref<1000xi32, #tpu.memory_space<vmem>>) target_semaphore(%run_scoped3A : memref<!tpu.dma_semaphore, #tpu.memory_space<semaphore_mem>>)
      %dma_wait3A_38 = tpu.memref_slice %arg4[%mul3A_4] : memref<320000xi32, #tpu.memory_space<hbm>> -> memref<1000xi32, #tpu.memory_space<hbm>>
      %dma_wait3A_39 = tpu.memref_slice %arg4[%mul3A_4] : memref<320000xi32, #tpu.memory_space<hbm>> -> memref<1000xi32, #tpu.memory_space<hbm>>
      tpu.wait_dma2 semaphore(%run_scoped3A : memref<!tpu.dma_semaphore, #tpu.memory_space<semaphore_mem>>) src(%dma_wait3A_39 : memref<1000xi32, #tpu.memory_space<hbm>>) dst(%arg7 : memref<1000xi32, #tpu.memory_space<vmem>>)
      tpu.yield
    }) : () -> ()
    "tpu.region"() ({
      %run_scoped3A = tpu.sem_alloc : memref<!tpu.dma_semaphore, #tpu.memory_space<semaphore_mem>>
      %dma_start3A_36 = tpu.memref_slice %arg5[%mul3A_4] : memref<320000xi32, #tpu.memory_space<hbm>> -> memref<1000xi32, #tpu.memory_space<hbm>>
      %dma_start3A_37 = tpu.memref_slice %arg5[%mul3A_4] : memref<320000xi32, #tpu.memory_space<hbm>> -> memref<1000xi32, #tpu.memory_space<hbm>>
      tpu.enqueue_dma source(%dma_start3A_37 : memref<1000xi32, #tpu.memory_space<hbm>>) target(%arg8 : memref<1000xi32, #tpu.memory_space<vmem>>) target_semaphore(%run_scoped3A : memref<!tpu.dma_semaphore, #tpu.memory_space<semaphore_mem>>)
      %dma_wait3A_38 = tpu.memref_slice %arg5[%mul3A_4] : memref<320000xi32, #tpu.memory_space<hbm>> -> memref<1000xi32, #tpu.memory_space<hbm>>
      %dma_wait3A_39 = tpu.memref_slice %arg5[%mul3A_4] : memref<320000xi32, #tpu.memory_space<hbm>> -> memref<1000xi32, #tpu.memory_space<hbm>>
      tpu.wait_dma2 semaphore(%run_scoped3A : memref<!tpu.dma_semaphore, #tpu.memory_space<semaphore_mem>>) src(%dma_wait3A_39 : memref<1000xi32, #tpu.memory_space<hbm>>) dst(%arg8 : memref<1000xi32, #tpu.memory_space<vmem>>)
      tpu.yield
    }) : () -> ()
    %dma_start3A = arith.constant 0 : i32
    %dma_start3A_5 = arith.constant 0 : i32
    %dma_start3A_6 = tpu.memref_slice %arg2[%dma_start3A, %dma_start3A_5] : memref<10000x16xf32, #tpu.memory_space<hbm>> -> memref<10000x16xf32, #tpu.memory_space<hbm>>
    tpu.enqueue_indirect_dma source(%dma_start3A_6 : memref<10000x16xf32, #tpu.memory_space<hbm>>) target(%arg9 : memref<1000x16xf32, #tpu.memory_space<vmem>>) offsets(%arg7 : memref<1000xi32, #tpu.memory_space<vmem>>) semaphore(%arg15 : memref<!tpu.dma_semaphore, #tpu.memory_space<semaphore_mem>>)
    %dma_start3A_7 = arith.constant 0 : i32
    %dma_start3A_8 = arith.constant 0 : i32
    %dma_start3A_9 = tpu.memref_slice %arg3[%dma_start3A_7, %dma_start3A_8] : memref<10000x16xf32, #tpu.memory_space<hbm>> -> memref<10000x16xf32, #tpu.memory_space<hbm>>
    tpu.enqueue_indirect_dma source(%dma_start3A_9 : memref<10000x16xf32, #tpu.memory_space<hbm>>) target(%arg10 : memref<1000x16xf32, #tpu.memory_space<vmem>>) offsets(%arg8 : memref<1000xi32, #tpu.memory_space<vmem>>) semaphore(%arg16 : memref<!tpu.dma_semaphore, #tpu.memory_space<semaphore_mem>>)
    %add3A_10 = arith.constant 32 : i32
    %add3A_11 = arith.addi %add3A, %add3A_10 : i32
    %mul3A_12 = arith.constant 1000 : i32
    %mul3A_13 = arith.muli %add3A_11, %mul3A_12 : i32
    "tpu.region"() ({
      %run_scoped3A = tpu.sem_alloc : memref<!tpu.dma_semaphore, #tpu.memory_space<semaphore_mem>>
      %dma_start3A_36 = tpu.memref_slice %arg4[%mul3A_13] : memref<320000xi32, #tpu.memory_space<hbm>> -> memref<1000xi32, #tpu.memory_space<hbm>>
      %dma_start3A_37 = tpu.memref_slice %arg4[%mul3A_13] : memref<320000xi32, #tpu.memory_space<hbm>> -> memref<1000xi32, #tpu.memory_space<hbm>>
      tpu.enqueue_dma source(%dma_start3A_37 : memref<1000xi32, #tpu.memory_space<hbm>>) target(%arg11 : memref<1000xi32, #tpu.memory_space<vmem>>) target_semaphore(%run_scoped3A : memref<!tpu.dma_semaphore, #tpu.memory_space<semaphore_mem>>)
      %dma_wait3A_38 = tpu.memref_slice %arg4[%mul3A_13] : memref<320000xi32, #tpu.memory_space<hbm>> -> memref<1000xi32, #tpu.memory_space<hbm>>
      %dma_wait3A_39 = tpu.memref_slice %arg4[%mul3A_13] : memref<320000xi32, #tpu.memory_space<hbm>> -> memref<1000xi32, #tpu.memory_space<hbm>>
      tpu.wait_dma2 semaphore(%run_scoped3A : memref<!tpu.dma_semaphore, #tpu.memory_space<semaphore_mem>>) src(%dma_wait3A_39 : memref<1000xi32, #tpu.memory_space<hbm>>) dst(%arg11 : memref<1000xi32, #tpu.memory_space<vmem>>)
      tpu.yield
    }) : () -> ()
    "tpu.region"() ({
      %run_scoped3A = tpu.sem_alloc : memref<!tpu.dma_semaphore, #tpu.memory_space<semaphore_mem>>
      %dma_start3A_36 = tpu.memref_slice %arg5[%mul3A_13] : memref<320000xi32, #tpu.memory_space<hbm>> -> memref<1000xi32, #tpu.memory_space<hbm>>
      %dma_start3A_37 = tpu.memref_slice %arg5[%mul3A_13] : memref<320000xi32, #tpu.memory_space<hbm>> -> memref<1000xi32, #tpu.memory_space<hbm>>
      tpu.enqueue_dma source(%dma_start3A_37 : memref<1000xi32, #tpu.memory_space<hbm>>) target(%arg12 : memref<1000xi32, #tpu.memory_space<vmem>>) target_semaphore(%run_scoped3A : memref<!tpu.dma_semaphore, #tpu.memory_space<semaphore_mem>>)
      %dma_wait3A_38 = tpu.memref_slice %arg5[%mul3A_13] : memref<320000xi32, #tpu.memory_space<hbm>> -> memref<1000xi32, #tpu.memory_space<hbm>>
      %dma_wait3A_39 = tpu.memref_slice %arg5[%mul3A_13] : memref<320000xi32, #tpu.memory_space<hbm>> -> memref<1000xi32, #tpu.memory_space<hbm>>
      tpu.wait_dma2 semaphore(%run_scoped3A : memref<!tpu.dma_semaphore, #tpu.memory_space<semaphore_mem>>) src(%dma_wait3A_39 : memref<1000xi32, #tpu.memory_space<hbm>>) dst(%arg12 : memref<1000xi32, #tpu.memory_space<vmem>>)
      tpu.yield
    }) : () -> ()
    %dma_start3A_14 = arith.constant 0 : i32
    %dma_start3A_15 = arith.constant 0 : i32
    %dma_start3A_16 = tpu.memref_slice %arg2[%dma_start3A_14, %dma_start3A_15] : memref<10000x16xf32, #tpu.memory_space<hbm>> -> memref<10000x16xf32, #tpu.memory_space<hbm>>
    tpu.enqueue_indirect_dma source(%dma_start3A_16 : memref<10000x16xf32, #tpu.memory_space<hbm>>) target(%arg13 : memref<1000x16xf32, #tpu.memory_space<vmem>>) offsets(%arg11 : memref<1000xi32, #tpu.memory_space<vmem>>) semaphore(%arg18 : memref<!tpu.dma_semaphore, #tpu.memory_space<semaphore_mem>>)
    %dma_start3A_17 = arith.constant 0 : i32
    %dma_start3A_18 = arith.constant 0 : i32
    %dma_start3A_19 = tpu.memref_slice %arg3[%dma_start3A_17, %dma_start3A_18] : memref<10000x16xf32, #tpu.memory_space<hbm>> -> memref<10000x16xf32, #tpu.memory_space<hbm>>
    tpu.enqueue_indirect_dma source(%dma_start3A_19 : memref<10000x16xf32, #tpu.memory_space<hbm>>) target(%arg14 : memref<1000x16xf32, #tpu.memory_space<vmem>>) offsets(%arg12 : memref<1000xi32, #tpu.memory_space<vmem>>) semaphore(%arg19 : memref<!tpu.dma_semaphore, #tpu.memory_space<semaphore_mem>>)
    %scan3A = arith.constant 0 : i32
    %scan3A_20 = arith.constant 0 : i32
    %scan3A_21 = arith.constant 5 : i32
    %scan3A_22 = arith.addi %scan3A_20, %scan3A_21 : i32
    %scan3A_23 = arith.constant 1 : i32
    scf.for %scan3A_36 = %scan3A_20 to %scan3A_22 step %scan3A_23  : i32 {
      %mul3A_37 = arith.constant 2 : i32
      %mul3A_38 = arith.muli %scan3A_36, %mul3A_37 : i32
      %add3A_39 = arith.constant 0 : i32
      %add3A_40 = arith.addi %mul3A_38, %add3A_39 : i32
      %dma_wait3A_41 = arith.constant 0 : i32
      %dma_wait3A_42 = arith.constant 0 : i32
      %dma_wait3A_43 = tpu.memref_slice %arg2[%dma_wait3A_41, %dma_wait3A_42] : memref<10000x16xf32, #tpu.memory_space<hbm>> -> memref<10000x16xf32, #tpu.memory_space<hbm>>
      tpu.wait_indirect_dma semaphore(%arg15 : memref<!tpu.dma_semaphore, #tpu.memory_space<semaphore_mem>>) src(%dma_wait3A_43 : memref<10000x16xf32, #tpu.memory_space<hbm>>) dst(%arg9 : memref<1000x16xf32, #tpu.memory_space<vmem>>)
      %dma_wait3A_44 = arith.constant 0 : i32
      %dma_wait3A_45 = arith.constant 0 : i32
      %dma_wait3A_46 = tpu.memref_slice %arg3[%dma_wait3A_44, %dma_wait3A_45] : memref<10000x16xf32, #tpu.memory_space<hbm>> -> memref<10000x16xf32, #tpu.memory_space<hbm>>
      tpu.wait_indirect_dma semaphore(%arg16 : memref<!tpu.dma_semaphore, #tpu.memory_space<semaphore_mem>>) src(%dma_wait3A_46 : memref<10000x16xf32, #tpu.memory_space<hbm>>) dst(%arg10 : memref<1000x16xf32, #tpu.memory_space<vmem>>)
      %scan3A_47 = arith.constant 0 : i32
      %scan3A_48 = arith.constant 0 : i32
      %scan3A_49 = arith.constant 250 : i32
      %scan3A_50 = arith.addi %scan3A_48, %scan3A_49 : i32
      %scan3A_51 = arith.constant 1 : i32
      scf.for %scan3A_255 = %scan3A_48 to %scan3A_50 step %scan3A_51  : i32 {
        %mul3A_256 = arith.constant 4 : i32
        %mul3A_257 = arith.muli %scan3A_255, %mul3A_256 : i32
        %add3A_258 = arith.constant 0 : i32
        %add3A_259 = arith.addi %mul3A_257, %add3A_258 : i32
        %get3A = arith.index_cast %add3A_259 : i32 to index
        %get3A_260 = arith.constant 0 : index
        %get3A_261 = tpu.vector_load %arg9[%get3A, %get3A_260] {strides = array<i32>} : memref<1000x16xf32, #tpu.memory_space<vmem>>, vector<1x16xf32>,
        %get3A_262 = vector.shape_cast %get3A_261 : vector<1x16xf32> to vector<16xf32>
        %add3A_263 = arith.constant 0 : i32
        %add3A_264 = arith.addi %mul3A_257, %add3A_263 : i32
        %get3A_265 = arith.index_cast %add3A_264 : i32 to index
        %get3A_266 = arith.constant 0 : index
        %get3A_267 = tpu.vector_load %arg10[%get3A_265, %get3A_266] {strides = array<i32>} : memref<1000x16xf32, #tpu.memory_space<vmem>>, vector<1x16xf32>,
        %get3A_268 = vector.shape_cast %get3A_267 : vector<1x16xf32> to vector<16xf32>
        %add3A_269 = arith.addf %get3A_262, %get3A_268 : vector<16xf32>
        %add3A_270 = arith.constant 0 : i32
        %add3A_271 = arith.addi %mul3A_257, %add3A_270 : i32
        %swap3A = arith.index_cast %add3A_271 : i32 to index
        %swap3A_272 = arith.constant 0 : index
        %swap3A_273 = tpu.vector_load %arg9[%swap3A, %swap3A_272] {strides = array<i32>} : memref<1000x16xf32, #tpu.memory_space<vmem>>, vector<1x16xf32>,
        %swap3A_274 = vector.shape_cast %swap3A_273 : vector<1x16xf32> to vector<16xf32>
        %swap3A_275 = vector.shape_cast %add3A_269 : vector<16xf32> to vector<1x16xf32>
        tpu.vector_store %arg9[%swap3A, %swap3A_272], %swap3A_275 {strides = array<i32>} : memref<1000x16xf32, #tpu.memory_space<vmem>>, vector<1x16xf32>,
        %add3A_276 = arith.constant 1 : i32
        %add3A_277 = arith.addi %mul3A_257, %add3A_276 : i32
        %get3A_278 = arith.index_cast %add3A_277 : i32 to index
        %get3A_279 = arith.constant 0 : index
        %get3A_280 = tpu.vector_load %arg9[%get3A_278, %get3A_279] {strides = array<i32>} : memref<1000x16xf32, #tpu.memory_space<vmem>>, vector<1x16xf32>,
        %get3A_281 = vector.shape_cast %get3A_280 : vector<1x16xf32> to vector<16xf32>
        %add3A_282 = arith.constant 1 : i32
        %add3A_283 = arith.addi %mul3A_257, %add3A_282 : i32
        %get3A_284 = arith.index_cast %add3A_283 : i32 to index
        %get3A_285 = arith.constant 0 : index
        %get3A_286 = tpu.vector_load %arg10[%get3A_284, %get3A_285] {strides = array<i32>} : memref<1000x16xf32, #tpu.memory_space<vmem>>, vector<1x16xf32>,
        %get3A_287 = vector.shape_cast %get3A_286 : vector<1x16xf32> to vector<16xf32>
        %add3A_288 = arith.addf %get3A_281, %get3A_287 : vector<16xf32>
        %add3A_289 = arith.constant 1 : i32
        %add3A_290 = arith.addi %mul3A_257, %add3A_289 : i32
        %swap3A_291 = arith.index_cast %add3A_290 : i32 to index
        %swap3A_292 = arith.constant 0 : index
        %swap3A_293 = tpu.vector_load %arg9[%swap3A_291, %swap3A_292] {strides = array<i32>} : memref<1000x16xf32, #tpu.memory_space<vmem>>, vector<1x16xf32>,
        %swap3A_294 = vector.shape_cast %swap3A_293 : vector<1x16xf32> to vector<16xf32>
        %swap3A_295 = vector.shape_cast %add3A_288 : vector<16xf32> to vector<1x16xf32>
        tpu.vector_store %arg9[%swap3A_291, %swap3A_292], %swap3A_295 {strides = array<i32>} : memref<1000x16xf32, #tpu.memory_space<vmem>>, vector<1x16xf32>,
        %add3A_296 = arith.constant 2 : i32
        %add3A_297 = arith.addi %mul3A_257, %add3A_296 : i32
        %get3A_298 = arith.index_cast %add3A_297 : i32 to index
        %get3A_299 = arith.constant 0 : index
        %get3A_300 = tpu.vector_load %arg9[%get3A_298, %get3A_299] {strides = array<i32>} : memref<1000x16xf32, #tpu.memory_space<vmem>>, vector<1x16xf32>,
        %get3A_301 = vector.shape_cast %get3A_300 : vector<1x16xf32> to vector<16xf32>
        %add3A_302 = arith.constant 2 : i32
        %add3A_303 = arith.addi %mul3A_257, %add3A_302 : i32
        %get3A_304 = arith.index_cast %add3A_303 : i32 to index
        %get3A_305 = arith.constant 0 : index
        %get3A_306 = tpu.vector_load %arg10[%get3A_304, %get3A_305] {strides = array<i32>} : memref<1000x16xf32, #tpu.memory_space<vmem>>, vector<1x16xf32>,
        %get3A_307 = vector.shape_cast %get3A_306 : vector<1x16xf32> to vector<16xf32>
        %add3A_308 = arith.addf %get3A_301, %get3A_307 : vector<16xf32>
        %add3A_309 = arith.constant 2 : i32
        %add3A_310 = arith.addi %mul3A_257, %add3A_309 : i32
        %swap3A_311 = arith.index_cast %add3A_310 : i32 to index
        %swap3A_312 = arith.constant 0 : index
        %swap3A_313 = tpu.vector_load %arg9[%swap3A_311, %swap3A_312] {strides = array<i32>} : memref<1000x16xf32, #tpu.memory_space<vmem>>, vector<1x16xf32>,
        %swap3A_314 = vector.shape_cast %swap3A_313 : vector<1x16xf32> to vector<16xf32>
        %swap3A_315 = vector.shape_cast %add3A_308 : vector<16xf32> to vector<1x16xf32>
        tpu.vector_store %arg9[%swap3A_311, %swap3A_312], %swap3A_315 {strides = array<i32>} : memref<1000x16xf32, #tpu.memory_space<vmem>>, vector<1x16xf32>,
        %add3A_316 = arith.constant 3 : i32
        %add3A_317 = arith.addi %mul3A_257, %add3A_316 : i32
        %get3A_318 = arith.index_cast %add3A_317 : i32 to index
        %get3A_319 = arith.constant 0 : index
        %get3A_320 = tpu.vector_load %arg9[%get3A_318, %get3A_319] {strides = array<i32>} : memref<1000x16xf32, #tpu.memory_space<vmem>>, vector<1x16xf32>,
        %get3A_321 = vector.shape_cast %get3A_320 : vector<1x16xf32> to vector<16xf32>
        %add3A_322 = arith.constant 3 : i32
        %add3A_323 = arith.addi %mul3A_257, %add3A_322 : i32
        %get3A_324 = arith.index_cast %add3A_323 : i32 to index
        %get3A_325 = arith.constant 0 : index
        %get3A_326 = tpu.vector_load %arg10[%get3A_324, %get3A_325] {strides = array<i32>} : memref<1000x16xf32, #tpu.memory_space<vmem>>, vector<1x16xf32>,
        %get3A_327 = vector.shape_cast %get3A_326 : vector<1x16xf32> to vector<16xf32>
        %add3A_328 = arith.addf %get3A_321, %get3A_327 : vector<16xf32>
        %add3A_329 = arith.constant 3 : i32
        %add3A_330 = arith.addi %mul3A_257, %add3A_329 : i32
        %swap3A_331 = arith.index_cast %add3A_330 : i32 to index
        %swap3A_332 = arith.constant 0 : index
        %swap3A_333 = tpu.vector_load %arg9[%swap3A_331, %swap3A_332] {strides = array<i32>} : memref<1000x16xf32, #tpu.memory_space<vmem>>, vector<1x16xf32>,
        %swap3A_334 = vector.shape_cast %swap3A_333 : vector<1x16xf32> to vector<16xf32>
        %swap3A_335 = vector.shape_cast %add3A_328 : vector<16xf32> to vector<1x16xf32>
        tpu.vector_store %arg9[%swap3A_331, %swap3A_332], %swap3A_335 {strides = array<i32>} : memref<1000x16xf32, #tpu.memory_space<vmem>>, vector<1x16xf32>,
      }
      %scan3A_52 = arith.constant 250 : i32
      %mul3A_53 = arith.constant 32 : i32
      %mul3A_54 = arith.muli %add3A_40, %mul3A_53 : i32
      %add3A_55 = arith.addi %add3A, %mul3A_54 : i32
      %mul3A_56 = arith.constant 1000 : i32
      %mul3A_57 = arith.muli %add3A_55, %mul3A_56 : i32
      %jit3A = arith.constant 2000 : i32
      %div3A = arith.divsi %mul3A_57, %jit3A : i32
      %sign3A = arith.constant 0 : i32
      %sign3A_58 = arith.cmpi sgt, %mul3A_57, %sign3A : i32
      %sign3A_59 = arith.extui %sign3A_58 : i1 to i32
      %sign3A_60 = arith.constant 0 : i32
      %sign3A_61 = arith.cmpi slt, %mul3A_57, %sign3A_60 : i32
      %sign3A_62 = arith.extui %sign3A_61 : i1 to i32
      %sign3A_63 = arith.subi %sign3A_59, %sign3A_62 : i32
      %sign3A_64 = arith.constant 0 : i32
      %sign3A_65 = arith.cmpi sgt, %jit3A, %sign3A_64 : i32
      %sign3A_66 = arith.extui %sign3A_65 : i1 to i32
      %sign3A_67 = arith.constant 0 : i32
      %sign3A_68 = arith.cmpi slt, %jit3A, %sign3A_67 : i32
      %sign3A_69 = arith.extui %sign3A_68 : i1 to i32
      %sign3A_70 = arith.subi %sign3A_66, %sign3A_69 : i32
      %ne3A = arith.cmpi ne, %sign3A_63, %sign3A_70 : i32
      %rem3A = arith.remsi %mul3A_57, %jit3A : i32
      %ne3A_71 = arith.constant 0 : i32
      %ne3A_72 = arith.cmpi ne, %rem3A, %ne3A_71 : i32
      %and3A = arith.andi %ne3A, %ne3A_72 : i1
      %sub3A = arith.constant 1 : i32
      %sub3A_73 = arith.subi %div3A, %sub3A : i32
      %select_n3A = arith.select %and3A, %sub3A_73, %div3A : i32
      %jit3A_74 = arith.constant 8 : i32
      %eq3A = arith.constant 0 : i32
      %eq3A_75 = arith.cmpi eq, %jit3A_74, %eq3A : i32
      %jit3A_76 = arith.constant 1 : i32
      %select_n3A_77 = arith.select %eq3A_75, %jit3A_76, %jit3A_74 : i32
      %rem3A_78 = arith.remsi %select_n3A, %select_n3A_77 : i32
      %ne3A_79 = arith.constant 0 : i32
      %ne3A_80 = arith.cmpi ne, %rem3A_78, %ne3A_79 : i32
      %lt3A = arith.constant 0 : i32
      %lt3A_81 = arith.cmpi slt, %rem3A_78, %lt3A : i32
      %lt3A_82 = arith.constant 0 : i32
      %lt3A_83 = arith.cmpi slt, %select_n3A_77, %lt3A_82 : i32
      %ne3A_84 = arith.xori %lt3A_81, %lt3A_83 : i1
      %and3A_85 = arith.andi %ne3A_84, %ne3A_80 : i1
      %add3A_86 = arith.addi %rem3A_78, %select_n3A_77 : i32
      %select_n3A_87 = arith.select %and3A_85, %add3A_86, %rem3A_78 : i32
      %jit3A_88 = arith.constant 16000 : i32
      %div3A_89 = arith.divsi %mul3A_57, %jit3A_88 : i32
      %sign3A_90 = arith.constant 0 : i32
      %sign3A_91 = arith.cmpi sgt, %mul3A_57, %sign3A_90 : i32
      %sign3A_92 = arith.extui %sign3A_91 : i1 to i32
      %sign3A_93 = arith.constant 0 : i32
      %sign3A_94 = arith.cmpi slt, %mul3A_57, %sign3A_93 : i32
      %sign3A_95 = arith.extui %sign3A_94 : i1 to i32
      %sign3A_96 = arith.subi %sign3A_92, %sign3A_95 : i32
      %sign3A_97 = arith.constant 0 : i32
      %sign3A_98 = arith.cmpi sgt, %jit3A_88, %sign3A_97 : i32
      %sign3A_99 = arith.extui %sign3A_98 : i1 to i32
      %sign3A_100 = arith.constant 0 : i32
      %sign3A_101 = arith.cmpi slt, %jit3A_88, %sign3A_100 : i32
      %sign3A_102 = arith.extui %sign3A_101 : i1 to i32
      %sign3A_103 = arith.subi %sign3A_99, %sign3A_102 : i32
      %ne3A_104 = arith.cmpi ne, %sign3A_96, %sign3A_103 : i32
      %rem3A_105 = arith.remsi %mul3A_57, %jit3A_88 : i32
      %ne3A_106 = arith.constant 0 : i32
      %ne3A_107 = arith.cmpi ne, %rem3A_105, %ne3A_106 : i32
      %and3A_108 = arith.andi %ne3A_104, %ne3A_107 : i1
      %sub3A_109 = arith.constant 1 : i32
      %sub3A_110 = arith.subi %div3A_89, %sub3A_109 : i32
      %select_n3A_111 = arith.select %and3A_108, %sub3A_110, %div3A_89 : i32
      %mul3A_112 = arith.constant 2000 : i32
      %mul3A_113 = arith.muli %select_n3A_111, %mul3A_112 : i32
      %jit3A_114 = arith.constant 2000 : i32
      %eq3A_115 = arith.constant 0 : i32
      %eq3A_116 = arith.cmpi eq, %jit3A_114, %eq3A_115 : i32
      %jit3A_117 = arith.constant 1 : i32
      %select_n3A_118 = arith.select %eq3A_116, %jit3A_117, %jit3A_114 : i32
      %rem3A_119 = arith.remsi %mul3A_57, %select_n3A_118 : i32
      %ne3A_120 = arith.constant 0 : i32
      %ne3A_121 = arith.cmpi ne, %rem3A_119, %ne3A_120 : i32
      %lt3A_122 = arith.constant 0 : i32
      %lt3A_123 = arith.cmpi slt, %rem3A_119, %lt3A_122 : i32
      %lt3A_124 = arith.constant 0 : i32
      %lt3A_125 = arith.cmpi slt, %select_n3A_118, %lt3A_124 : i32
      %ne3A_126 = arith.xori %lt3A_123, %lt3A_125 : i1
      %and3A_127 = arith.andi %ne3A_126, %ne3A_121 : i1
      %add3A_128 = arith.addi %rem3A_119, %select_n3A_118 : i32
      %select_n3A_129 = arith.select %and3A_127, %add3A_128, %rem3A_119 : i32
      %add3A_130 = arith.addi %mul3A_113, %select_n3A_129 : i32
      %mul3A_131 = arith.constant 16 : i32
      %mul3A_132 = arith.muli %select_n3A_87, %mul3A_131 : i32
      %dma_start3A_133 = tpu.memref_slice %arg6[%add3A_130, %mul3A_132] : memref<40000x128xf32, #tpu.memory_space<hbm>> -> memref<1000x16xf32, #tpu.memory_space<hbm>>
      %dma_start3A_134 = tpu.memref_slice %arg6[%add3A_130, %mul3A_132] : memref<40000x128xf32, #tpu.memory_space<hbm>> -> memref<1000x16xf32, #tpu.memory_space<hbm>>
      tpu.enqueue_dma source(%arg9 : memref<1000x16xf32, #tpu.memory_space<vmem>>) target(%dma_start3A_134 : memref<1000x16xf32, #tpu.memory_space<hbm>>) target_semaphore(%arg17 : memref<!tpu.dma_semaphore, #tpu.memory_space<semaphore_mem>>)
      %add3A_135 = arith.constant 2 : i32
      %add3A_136 = arith.addi %add3A_40, %add3A_135 : i32
      %lt3A_137 = arith.constant 10 : i32
      %lt3A_138 = arith.cmpi slt, %add3A_136, %lt3A_137 : i32
      %convert_element_type3A = arith.extui %lt3A_138 : i1 to i32
      %cond3A = arith.constant 0 : i32
      %cond3A_139 = arith.cmpi ne, %convert_element_type3A, %cond3A : i32
      scf.if %cond3A_139 {
        %dma_wait3A_255 = arith.constant 0 : i32
        %dma_wait3A_256 = arith.constant 0 : i32
        %dma_wait3A_257 = tpu.memref_slice %arg6[%dma_wait3A_255, %dma_wait3A_256] : memref<40000x128xf32, #tpu.memory_space<hbm>> -> memref<1000x16xf32, #tpu.memory_space<hbm>>
        %dma_wait3A_258 = arith.constant 0 : i32
        %dma_wait3A_259 = arith.constant 0 : i32
        %dma_wait3A_260 = tpu.memref_slice %arg6[%dma_wait3A_258, %dma_wait3A_259] : memref<40000x128xf32, #tpu.memory_space<hbm>> -> memref<1000x16xf32, #tpu.memory_space<hbm>>
        tpu.wait_dma2 semaphore(%arg17 : memref<!tpu.dma_semaphore, #tpu.memory_space<semaphore_mem>>) src(%arg9 : memref<1000x16xf32, #tpu.memory_space<vmem>>) dst(%dma_wait3A_260 : memref<1000x16xf32, #tpu.memory_space<hbm>>)
        %add3A_261 = arith.constant 2 : i32
        %add3A_262 = arith.addi %add3A_40, %add3A_261 : i32
        %mul3A_263 = arith.constant 32 : i32
        %mul3A_264 = arith.muli %add3A_262, %mul3A_263 : i32
        %add3A_265 = arith.addi %add3A, %mul3A_264 : i32
        %mul3A_266 = arith.constant 1000 : i32
        %mul3A_267 = arith.muli %add3A_265, %mul3A_266 : i32
        "tpu.region"() ({
          %run_scoped3A = tpu.sem_alloc : memref<!tpu.dma_semaphore, #tpu.memory_space<semaphore_mem>>
          %dma_start3A_274 = tpu.memref_slice %arg4[%mul3A_267] : memref<320000xi32, #tpu.memory_space<hbm>> -> memref<1000xi32, #tpu.memory_space<hbm>>
          %dma_start3A_275 = tpu.memref_slice %arg4[%mul3A_267] : memref<320000xi32, #tpu.memory_space<hbm>> -> memref<1000xi32, #tpu.memory_space<hbm>>
          tpu.enqueue_dma source(%dma_start3A_275 : memref<1000xi32, #tpu.memory_space<hbm>>) target(%arg7 : memref<1000xi32, #tpu.memory_space<vmem>>) target_semaphore(%run_scoped3A : memref<!tpu.dma_semaphore, #tpu.memory_space<semaphore_mem>>)
          %dma_wait3A_276 = tpu.memref_slice %arg4[%mul3A_267] : memref<320000xi32, #tpu.memory_space<hbm>> -> memref<1000xi32, #tpu.memory_space<hbm>>
          %dma_wait3A_277 = tpu.memref_slice %arg4[%mul3A_267] : memref<320000xi32, #tpu.memory_space<hbm>> -> memref<1000xi32, #tpu.memory_space<hbm>>
          tpu.wait_dma2 semaphore(%run_scoped3A : memref<!tpu.dma_semaphore, #tpu.memory_space<semaphore_mem>>) src(%dma_wait3A_277 : memref<1000xi32, #tpu.memory_space<hbm>>) dst(%arg7 : memref<1000xi32, #tpu.memory_space<vmem>>)
          tpu.yield
        }) : () -> ()
        "tpu.region"() ({
          %run_scoped3A = tpu.sem_alloc : memref<!tpu.dma_semaphore, #tpu.memory_space<semaphore_mem>>
          %dma_start3A_274 = tpu.memref_slice %arg5[%mul3A_267] : memref<320000xi32, #tpu.memory_space<hbm>> -> memref<1000xi32, #tpu.memory_space<hbm>>
          %dma_start3A_275 = tpu.memref_slice %arg5[%mul3A_267] : memref<320000xi32, #tpu.memory_space<hbm>> -> memref<1000xi32, #tpu.memory_space<hbm>>
          tpu.enqueue_dma source(%dma_start3A_275 : memref<1000xi32, #tpu.memory_space<hbm>>) target(%arg8 : memref<1000xi32, #tpu.memory_space<vmem>>) target_semaphore(%run_scoped3A : memref<!tpu.dma_semaphore, #tpu.memory_space<semaphore_mem>>)
          %dma_wait3A_276 = tpu.memref_slice %arg5[%mul3A_267] : memref<320000xi32, #tpu.memory_space<hbm>> -> memref<1000xi32, #tpu.memory_space<hbm>>
          %dma_wait3A_277 = tpu.memref_slice %arg5[%mul3A_267] : memref<320000xi32, #tpu.memory_space<hbm>> -> memref<1000xi32, #tpu.memory_space<hbm>>
          tpu.wait_dma2 semaphore(%run_scoped3A : memref<!tpu.dma_semaphore, #tpu.memory_space<semaphore_mem>>) src(%dma_wait3A_277 : memref<1000xi32, #tpu.memory_space<hbm>>) dst(%arg8 : memref<1000xi32, #tpu.memory_space<vmem>>)
          tpu.yield
        }) : () -> ()
        %dma_start3A_268 = arith.constant 0 : i32
        %dma_start3A_269 = arith.constant 0 : i32
        %dma_start3A_270 = tpu.memref_slice %arg2[%dma_start3A_268, %dma_start3A_269] : memref<10000x16xf32, #tpu.memory_space<hbm>> -> memref<10000x16xf32, #tpu.memory_space<hbm>>
        tpu.enqueue_indirect_dma source(%dma_start3A_270 : memref<10000x16xf32, #tpu.memory_space<hbm>>) target(%arg9 : memref<1000x16xf32, #tpu.memory_space<vmem>>) offsets(%arg7 : memref<1000xi32, #tpu.memory_space<vmem>>) semaphore(%arg15 : memref<!tpu.dma_semaphore, #tpu.memory_space<semaphore_mem>>)
        %dma_start3A_271 = arith.constant 0 : i32
        %dma_start3A_272 = arith.constant 0 : i32
        %dma_start3A_273 = tpu.memref_slice %arg3[%dma_start3A_271, %dma_start3A_272] : memref<10000x16xf32, #tpu.memory_space<hbm>> -> memref<10000x16xf32, #tpu.memory_space<hbm>>
        tpu.enqueue_indirect_dma source(%dma_start3A_273 : memref<10000x16xf32, #tpu.memory_space<hbm>>) target(%arg10 : memref<1000x16xf32, #tpu.memory_space<vmem>>) offsets(%arg8 : memref<1000xi32, #tpu.memory_space<vmem>>) semaphore(%arg16 : memref<!tpu.dma_semaphore, #tpu.memory_space<semaphore_mem>>)
      } else {
      }
      %mul3A_140 = arith.constant 2 : i32
      %mul3A_141 = arith.muli %scan3A_36, %mul3A_140 : i32
      %add3A_142 = arith.constant 1 : i32
      %add3A_143 = arith.addi %mul3A_141, %add3A_142 : i32
      %dma_wait3A_144 = arith.constant 0 : i32
      %dma_wait3A_145 = arith.constant 0 : i32
      %dma_wait3A_146 = tpu.memref_slice %arg2[%dma_wait3A_144, %dma_wait3A_145] : memref<10000x16xf32, #tpu.memory_space<hbm>> -> memref<10000x16xf32, #tpu.memory_space<hbm>>
      tpu.wait_indirect_dma semaphore(%arg18 : memref<!tpu.dma_semaphore, #tpu.memory_space<semaphore_mem>>) src(%dma_wait3A_146 : memref<10000x16xf32, #tpu.memory_space<hbm>>) dst(%arg13 : memref<1000x16xf32, #tpu.memory_space<vmem>>)
      %dma_wait3A_147 = arith.constant 0 : i32
      %dma_wait3A_148 = arith.constant 0 : i32
      %dma_wait3A_149 = tpu.memref_slice %arg3[%dma_wait3A_147, %dma_wait3A_148] : memref<10000x16xf32, #tpu.memory_space<hbm>> -> memref<10000x16xf32, #tpu.memory_space<hbm>>
      tpu.wait_indirect_dma semaphore(%arg19 : memref<!tpu.dma_semaphore, #tpu.memory_space<semaphore_mem>>) src(%dma_wait3A_149 : memref<10000x16xf32, #tpu.memory_space<hbm>>) dst(%arg14 : memref<1000x16xf32, #tpu.memory_space<vmem>>)
      %scan3A_150 = arith.constant 0 : i32
      %scan3A_151 = arith.constant 0 : i32
      %scan3A_152 = arith.constant 250 : i32
      %scan3A_153 = arith.addi %scan3A_151, %scan3A_152 : i32
      %scan3A_154 = arith.constant 1 : i32
      scf.for %scan3A_255 = %scan3A_151 to %scan3A_153 step %scan3A_154  : i32 {
        %mul3A_256 = arith.constant 4 : i32
        %mul3A_257 = arith.muli %scan3A_255, %mul3A_256 : i32
        %add3A_258 = arith.constant 0 : i32
        %add3A_259 = arith.addi %mul3A_257, %add3A_258 : i32
        %get3A = arith.index_cast %add3A_259 : i32 to index
        %get3A_260 = arith.constant 0 : index
        %get3A_261 = tpu.vector_load %arg13[%get3A, %get3A_260] {strides = array<i32>} : memref<1000x16xf32, #tpu.memory_space<vmem>>, vector<1x16xf32>,
        %get3A_262 = vector.shape_cast %get3A_261 : vector<1x16xf32> to vector<16xf32>
        %add3A_263 = arith.constant 0 : i32
        %add3A_264 = arith.addi %mul3A_257, %add3A_263 : i32
        %get3A_265 = arith.index_cast %add3A_264 : i32 to index
        %get3A_266 = arith.constant 0 : index
        %get3A_267 = tpu.vector_load %arg14[%get3A_265, %get3A_266] {strides = array<i32>} : memref<1000x16xf32, #tpu.memory_space<vmem>>, vector<1x16xf32>,
        %get3A_268 = vector.shape_cast %get3A_267 : vector<1x16xf32> to vector<16xf32>
        %add3A_269 = arith.addf %get3A_262, %get3A_268 : vector<16xf32>
        %add3A_270 = arith.constant 0 : i32
        %add3A_271 = arith.addi %mul3A_257, %add3A_270 : i32
        %swap3A = arith.index_cast %add3A_271 : i32 to index
        %swap3A_272 = arith.constant 0 : index
        %swap3A_273 = tpu.vector_load %arg13[%swap3A, %swap3A_272] {strides = array<i32>} : memref<1000x16xf32, #tpu.memory_space<vmem>>, vector<1x16xf32>,
        %swap3A_274 = vector.shape_cast %swap3A_273 : vector<1x16xf32> to vector<16xf32>
        %swap3A_275 = vector.shape_cast %add3A_269 : vector<16xf32> to vector<1x16xf32>
        tpu.vector_store %arg13[%swap3A, %swap3A_272], %swap3A_275 {strides = array<i32>} : memref<1000x16xf32, #tpu.memory_space<vmem>>, vector<1x16xf32>,
        %add3A_276 = arith.constant 1 : i32
        %add3A_277 = arith.addi %mul3A_257, %add3A_276 : i32
        %get3A_278 = arith.index_cast %add3A_277 : i32 to index
        %get3A_279 = arith.constant 0 : index
        %get3A_280 = tpu.vector_load %arg13[%get3A_278, %get3A_279] {strides = array<i32>} : memref<1000x16xf32, #tpu.memory_space<vmem>>, vector<1x16xf32>,
        %get3A_281 = vector.shape_cast %get3A_280 : vector<1x16xf32> to vector<16xf32>
        %add3A_282 = arith.constant 1 : i32
        %add3A_283 = arith.addi %mul3A_257, %add3A_282 : i32
        %get3A_284 = arith.index_cast %add3A_283 : i32 to index
        %get3A_285 = arith.constant 0 : index
        %get3A_286 = tpu.vector_load %arg14[%get3A_284, %get3A_285] {strides = array<i32>} : memref<1000x16xf32, #tpu.memory_space<vmem>>, vector<1x16xf32>,
        %get3A_287 = vector.shape_cast %get3A_286 : vector<1x16xf32> to vector<16xf32>
        %add3A_288 = arith.addf %get3A_281, %get3A_287 : vector<16xf32>
        %add3A_289 = arith.constant 1 : i32
        %add3A_290 = arith.addi %mul3A_257, %add3A_289 : i32
        %swap3A_291 = arith.index_cast %add3A_290 : i32 to index
        %swap3A_292 = arith.constant 0 : index
        %swap3A_293 = tpu.vector_load %arg13[%swap3A_291, %swap3A_292] {strides = array<i32>} : memref<1000x16xf32, #tpu.memory_space<vmem>>, vector<1x16xf32>,
        %swap3A_294 = vector.shape_cast %swap3A_293 : vector<1x16xf32> to vector<16xf32>
        %swap3A_295 = vector.shape_cast %add3A_288 : vector<16xf32> to vector<1x16xf32>
        tpu.vector_store %arg13[%swap3A_291, %swap3A_292], %swap3A_295 {strides = array<i32>} : memref<1000x16xf32, #tpu.memory_space<vmem>>, vector<1x16xf32>,
        %add3A_296 = arith.constant 2 : i32
        %add3A_297 = arith.addi %mul3A_257, %add3A_296 : i32
        %get3A_298 = arith.index_cast %add3A_297 : i32 to index
        %get3A_299 = arith.constant 0 : index
        %get3A_300 = tpu.vector_load %arg13[%get3A_298, %get3A_299] {strides = array<i32>} : memref<1000x16xf32, #tpu.memory_space<vmem>>, vector<1x16xf32>,
        %get3A_301 = vector.shape_cast %get3A_300 : vector<1x16xf32> to vector<16xf32>
        %add3A_302 = arith.constant 2 : i32
        %add3A_303 = arith.addi %mul3A_257, %add3A_302 : i32
        %get3A_304 = arith.index_cast %add3A_303 : i32 to index
        %get3A_305 = arith.constant 0 : index
        %get3A_306 = tpu.vector_load %arg14[%get3A_304, %get3A_305] {strides = array<i32>} : memref<1000x16xf32, #tpu.memory_space<vmem>>, vector<1x16xf32>,
        %get3A_307 = vector.shape_cast %get3A_306 : vector<1x16xf32> to vector<16xf32>
        %add3A_308 = arith.addf %get3A_301, %get3A_307 : vector<16xf32>
        %add3A_309 = arith.constant 2 : i32
        %add3A_310 = arith.addi %mul3A_257, %add3A_309 : i32
        %swap3A_311 = arith.index_cast %add3A_310 : i32 to index
        %swap3A_312 = arith.constant 0 : index
        %swap3A_313 = tpu.vector_load %arg13[%swap3A_311, %swap3A_312] {strides = array<i32>} : memref<1000x16xf32, #tpu.memory_space<vmem>>, vector<1x16xf32>,
        %swap3A_314 = vector.shape_cast %swap3A_313 : vector<1x16xf32> to vector<16xf32>
        %swap3A_315 = vector.shape_cast %add3A_308 : vector<16xf32> to vector<1x16xf32>
        tpu.vector_store %arg13[%swap3A_311, %swap3A_312], %swap3A_315 {strides = array<i32>} : memref<1000x16xf32, #tpu.memory_space<vmem>>, vector<1x16xf32>,
        %add3A_316 = arith.constant 3 : i32
        %add3A_317 = arith.addi %mul3A_257, %add3A_316 : i32
        %get3A_318 = arith.index_cast %add3A_317 : i32 to index
        %get3A_319 = arith.constant 0 : index
        %get3A_320 = tpu.vector_load %arg13[%get3A_318, %get3A_319] {strides = array<i32>} : memref<1000x16xf32, #tpu.memory_space<vmem>>, vector<1x16xf32>,
        %get3A_321 = vector.shape_cast %get3A_320 : vector<1x16xf32> to vector<16xf32>
        %add3A_322 = arith.constant 3 : i32
        %add3A_323 = arith.addi %mul3A_257, %add3A_322 : i32
        %get3A_324 = arith.index_cast %add3A_323 : i32 to index
        %get3A_325 = arith.constant 0 : index
        %get3A_326 = tpu.vector_load %arg14[%get3A_324, %get3A_325] {strides = array<i32>} : memref<1000x16xf32, #tpu.memory_space<vmem>>, vector<1x16xf32>,
        %get3A_327 = vector.shape_cast %get3A_326 : vector<1x16xf32> to vector<16xf32>
        %add3A_328 = arith.addf %get3A_321, %get3A_327 : vector<16xf32>
        %add3A_329 = arith.constant 3 : i32
        %add3A_330 = arith.addi %mul3A_257, %add3A_329 : i32
        %swap3A_331 = arith.index_cast %add3A_330 : i32 to index
        %swap3A_332 = arith.constant 0 : index
        %swap3A_333 = tpu.vector_load %arg13[%swap3A_331, %swap3A_332] {strides = array<i32>} : memref<1000x16xf32, #tpu.memory_space<vmem>>, vector<1x16xf32>,
        %swap3A_334 = vector.shape_cast %swap3A_333 : vector<1x16xf32> to vector<16xf32>
        %swap3A_335 = vector.shape_cast %add3A_328 : vector<16xf32> to vector<1x16xf32>
        tpu.vector_store %arg13[%swap3A_331, %swap3A_332], %swap3A_335 {strides = array<i32>} : memref<1000x16xf32, #tpu.memory_space<vmem>>, vector<1x16xf32>,
      }
      %scan3A_155 = arith.constant 250 : i32
      %mul3A_156 = arith.constant 32 : i32
      %mul3A_157 = arith.muli %add3A_143, %mul3A_156 : i32
      %add3A_158 = arith.addi %add3A, %mul3A_157 : i32
      %mul3A_159 = arith.constant 1000 : i32
      %mul3A_160 = arith.muli %add3A_158, %mul3A_159 : i32
      %jit3A_161 = arith.constant 2000 : i32
      %div3A_162 = arith.divsi %mul3A_160, %jit3A_161 : i32
      %sign3A_163 = arith.constant 0 : i32
      %sign3A_164 = arith.cmpi sgt, %mul3A_160, %sign3A_163 : i32
      %sign3A_165 = arith.extui %sign3A_164 : i1 to i32
      %sign3A_166 = arith.constant 0 : i32
      %sign3A_167 = arith.cmpi slt, %mul3A_160, %sign3A_166 : i32
      %sign3A_168 = arith.extui %sign3A_167 : i1 to i32
      %sign3A_169 = arith.subi %sign3A_165, %sign3A_168 : i32
      %sign3A_170 = arith.constant 0 : i32
      %sign3A_171 = arith.cmpi sgt, %jit3A_161, %sign3A_170 : i32
      %sign3A_172 = arith.extui %sign3A_171 : i1 to i32
      %sign3A_173 = arith.constant 0 : i32
      %sign3A_174 = arith.cmpi slt, %jit3A_161, %sign3A_173 : i32
      %sign3A_175 = arith.extui %sign3A_174 : i1 to i32
      %sign3A_176 = arith.subi %sign3A_172, %sign3A_175 : i32
      %ne3A_177 = arith.cmpi ne, %sign3A_169, %sign3A_176 : i32
      %rem3A_178 = arith.remsi %mul3A_160, %jit3A_161 : i32
      %ne3A_179 = arith.constant 0 : i32
      %ne3A_180 = arith.cmpi ne, %rem3A_178, %ne3A_179 : i32
      %and3A_181 = arith.andi %ne3A_177, %ne3A_180 : i1
      %sub3A_182 = arith.constant 1 : i32
      %sub3A_183 = arith.subi %div3A_162, %sub3A_182 : i32
      %select_n3A_184 = arith.select %and3A_181, %sub3A_183, %div3A_162 : i32
      %jit3A_185 = arith.constant 8 : i32
      %eq3A_186 = arith.constant 0 : i32
      %eq3A_187 = arith.cmpi eq, %jit3A_185, %eq3A_186 : i32
      %jit3A_188 = arith.constant 1 : i32
      %select_n3A_189 = arith.select %eq3A_187, %jit3A_188, %jit3A_185 : i32
      %rem3A_190 = arith.remsi %select_n3A_184, %select_n3A_189 : i32
      %ne3A_191 = arith.constant 0 : i32
      %ne3A_192 = arith.cmpi ne, %rem3A_190, %ne3A_191 : i32
      %lt3A_193 = arith.constant 0 : i32
      %lt3A_194 = arith.cmpi slt, %rem3A_190, %lt3A_193 : i32
      %lt3A_195 = arith.constant 0 : i32
      %lt3A_196 = arith.cmpi slt, %select_n3A_189, %lt3A_195 : i32
      %ne3A_197 = arith.xori %lt3A_194, %lt3A_196 : i1
      %and3A_198 = arith.andi %ne3A_197, %ne3A_192 : i1
      %add3A_199 = arith.addi %rem3A_190, %select_n3A_189 : i32
      %select_n3A_200 = arith.select %and3A_198, %add3A_199, %rem3A_190 : i32
      %jit3A_201 = arith.constant 16000 : i32
      %div3A_202 = arith.divsi %mul3A_160, %jit3A_201 : i32
      %sign3A_203 = arith.constant 0 : i32
      %sign3A_204 = arith.cmpi sgt, %mul3A_160, %sign3A_203 : i32
      %sign3A_205 = arith.extui %sign3A_204 : i1 to i32
      %sign3A_206 = arith.constant 0 : i32
      %sign3A_207 = arith.cmpi slt, %mul3A_160, %sign3A_206 : i32
      %sign3A_208 = arith.extui %sign3A_207 : i1 to i32
      %sign3A_209 = arith.subi %sign3A_205, %sign3A_208 : i32
      %sign3A_210 = arith.constant 0 : i32
      %sign3A_211 = arith.cmpi sgt, %jit3A_201, %sign3A_210 : i32
      %sign3A_212 = arith.extui %sign3A_211 : i1 to i32
      %sign3A_213 = arith.constant 0 : i32
      %sign3A_214 = arith.cmpi slt, %jit3A_201, %sign3A_213 : i32
      %sign3A_215 = arith.extui %sign3A_214 : i1 to i32
      %sign3A_216 = arith.subi %sign3A_212, %sign3A_215 : i32
      %ne3A_217 = arith.cmpi ne, %sign3A_209, %sign3A_216 : i32
      %rem3A_218 = arith.remsi %mul3A_160, %jit3A_201 : i32
      %ne3A_219 = arith.constant 0 : i32
      %ne3A_220 = arith.cmpi ne, %rem3A_218, %ne3A_219 : i32
      %and3A_221 = arith.andi %ne3A_217, %ne3A_220 : i1
      %sub3A_222 = arith.constant 1 : i32
      %sub3A_223 = arith.subi %div3A_202, %sub3A_222 : i32
      %select_n3A_224 = arith.select %and3A_221, %sub3A_223, %div3A_202 : i32
      %mul3A_225 = arith.constant 2000 : i32
      %mul3A_226 = arith.muli %select_n3A_224, %mul3A_225 : i32
      %jit3A_227 = arith.constant 2000 : i32
      %eq3A_228 = arith.constant 0 : i32
      %eq3A_229 = arith.cmpi eq, %jit3A_227, %eq3A_228 : i32
      %jit3A_230 = arith.constant 1 : i32
      %select_n3A_231 = arith.select %eq3A_229, %jit3A_230, %jit3A_227 : i32
      %rem3A_232 = arith.remsi %mul3A_160, %select_n3A_231 : i32
      %ne3A_233 = arith.constant 0 : i32
      %ne3A_234 = arith.cmpi ne, %rem3A_232, %ne3A_233 : i32
      %lt3A_235 = arith.constant 0 : i32
      %lt3A_236 = arith.cmpi slt, %rem3A_232, %lt3A_235 : i32
      %lt3A_237 = arith.constant 0 : i32
      %lt3A_238 = arith.cmpi slt, %select_n3A_231, %lt3A_237 : i32
      %ne3A_239 = arith.xori %lt3A_236, %lt3A_238 : i1
      %and3A_240 = arith.andi %ne3A_239, %ne3A_234 : i1
      %add3A_241 = arith.addi %rem3A_232, %select_n3A_231 : i32
      %select_n3A_242 = arith.select %and3A_240, %add3A_241, %rem3A_232 : i32
      %add3A_243 = arith.addi %mul3A_226, %select_n3A_242 : i32
      %mul3A_244 = arith.constant 16 : i32
      %mul3A_245 = arith.muli %select_n3A_200, %mul3A_244 : i32
      %dma_start3A_246 = tpu.memref_slice %arg6[%add3A_243, %mul3A_245] : memref<40000x128xf32, #tpu.memory_space<hbm>> -> memref<1000x16xf32, #tpu.memory_space<hbm>>
      %dma_start3A_247 = tpu.memref_slice %arg6[%add3A_243, %mul3A_245] : memref<40000x128xf32, #tpu.memory_space<hbm>> -> memref<1000x16xf32, #tpu.memory_space<hbm>>
      tpu.enqueue_dma source(%arg13 : memref<1000x16xf32, #tpu.memory_space<vmem>>) target(%dma_start3A_247 : memref<1000x16xf32, #tpu.memory_space<hbm>>) target_semaphore(%arg20 : memref<!tpu.dma_semaphore, #tpu.memory_space<semaphore_mem>>)
      %add3A_248 = arith.constant 2 : i32
      %add3A_249 = arith.addi %add3A_143, %add3A_248 : i32
      %lt3A_250 = arith.constant 10 : i32
      %lt3A_251 = arith.cmpi slt, %add3A_249, %lt3A_250 : i32
      %convert_element_type3A_252 = arith.extui %lt3A_251 : i1 to i32
      %cond3A_253 = arith.constant 0 : i32
      %cond3A_254 = arith.cmpi ne, %convert_element_type3A_252, %cond3A_253 : i32
      scf.if %cond3A_254 {
        %dma_wait3A_255 = arith.constant 0 : i32
        %dma_wait3A_256 = arith.constant 0 : i32
        %dma_wait3A_257 = tpu.memref_slice %arg6[%dma_wait3A_255, %dma_wait3A_256] : memref<40000x128xf32, #tpu.memory_space<hbm>> -> memref<1000x16xf32, #tpu.memory_space<hbm>>
        %dma_wait3A_258 = arith.constant 0 : i32
        %dma_wait3A_259 = arith.constant 0 : i32
        %dma_wait3A_260 = tpu.memref_slice %arg6[%dma_wait3A_258, %dma_wait3A_259] : memref<40000x128xf32, #tpu.memory_space<hbm>> -> memref<1000x16xf32, #tpu.memory_space<hbm>>
        tpu.wait_dma2 semaphore(%arg20 : memref<!tpu.dma_semaphore, #tpu.memory_space<semaphore_mem>>) src(%arg13 : memref<1000x16xf32, #tpu.memory_space<vmem>>) dst(%dma_wait3A_260 : memref<1000x16xf32, #tpu.memory_space<hbm>>)
        %add3A_261 = arith.constant 2 : i32
        %add3A_262 = arith.addi %add3A_143, %add3A_261 : i32
        %mul3A_263 = arith.constant 32 : i32
        %mul3A_264 = arith.muli %add3A_262, %mul3A_263 : i32
        %add3A_265 = arith.addi %add3A, %mul3A_264 : i32
        %mul3A_266 = arith.constant 1000 : i32
        %mul3A_267 = arith.muli %add3A_265, %mul3A_266 : i32
        "tpu.region"() ({
          %run_scoped3A = tpu.sem_alloc : memref<!tpu.dma_semaphore, #tpu.memory_space<semaphore_mem>>
          %dma_start3A_274 = tpu.memref_slice %arg4[%mul3A_267] : memref<320000xi32, #tpu.memory_space<hbm>> -> memref<1000xi32, #tpu.memory_space<hbm>>
          %dma_start3A_275 = tpu.memref_slice %arg4[%mul3A_267] : memref<320000xi32, #tpu.memory_space<hbm>> -> memref<1000xi32, #tpu.memory_space<hbm>>
          tpu.enqueue_dma source(%dma_start3A_275 : memref<1000xi32, #tpu.memory_space<hbm>>) target(%arg11 : memref<1000xi32, #tpu.memory_space<vmem>>) target_semaphore(%run_scoped3A : memref<!tpu.dma_semaphore, #tpu.memory_space<semaphore_mem>>)
          %dma_wait3A_276 = tpu.memref_slice %arg4[%mul3A_267] : memref<320000xi32, #tpu.memory_space<hbm>> -> memref<1000xi32, #tpu.memory_space<hbm>>
          %dma_wait3A_277 = tpu.memref_slice %arg4[%mul3A_267] : memref<320000xi32, #tpu.memory_space<hbm>> -> memref<1000xi32, #tpu.memory_space<hbm>>
          tpu.wait_dma2 semaphore(%run_scoped3A : memref<!tpu.dma_semaphore, #tpu.memory_space<semaphore_mem>>) src(%dma_wait3A_277 : memref<1000xi32, #tpu.memory_space<hbm>>) dst(%arg11 : memref<1000xi32, #tpu.memory_space<vmem>>)
          tpu.yield
        }) : () -> ()
        "tpu.region"() ({
          %run_scoped3A = tpu.sem_alloc : memref<!tpu.dma_semaphore, #tpu.memory_space<semaphore_mem>>
          %dma_start3A_274 = tpu.memref_slice %arg5[%mul3A_267] : memref<320000xi32, #tpu.memory_space<hbm>> -> memref<1000xi32, #tpu.memory_space<hbm>>
          %dma_start3A_275 = tpu.memref_slice %arg5[%mul3A_267] : memref<320000xi32, #tpu.memory_space<hbm>> -> memref<1000xi32, #tpu.memory_space<hbm>>
          tpu.enqueue_dma source(%dma_start3A_275 : memref<1000xi32, #tpu.memory_space<hbm>>) target(%arg12 : memref<1000xi32, #tpu.memory_space<vmem>>) target_semaphore(%run_scoped3A : memref<!tpu.dma_semaphore, #tpu.memory_space<semaphore_mem>>)
          %dma_wait3A_276 = tpu.memref_slice %arg5[%mul3A_267] : memref<320000xi32, #tpu.memory_space<hbm>> -> memref<1000xi32, #tpu.memory_space<hbm>>
          %dma_wait3A_277 = tpu.memref_slice %arg5[%mul3A_267] : memref<320000xi32, #tpu.memory_space<hbm>> -> memref<1000xi32, #tpu.memory_space<hbm>>
          tpu.wait_dma2 semaphore(%run_scoped3A : memref<!tpu.dma_semaphore, #tpu.memory_space<semaphore_mem>>) src(%dma_wait3A_277 : memref<1000xi32, #tpu.memory_space<hbm>>) dst(%arg12 : memref<1000xi32, #tpu.memory_space<vmem>>)
          tpu.yield
        }) : () -> ()
        %dma_start3A_268 = arith.constant 0 : i32
        %dma_start3A_269 = arith.constant 0 : i32
        %dma_start3A_270 = tpu.memref_slice %arg2[%dma_start3A_268, %dma_start3A_269] : memref<10000x16xf32, #tpu.memory_space<hbm>> -> memref<10000x16xf32, #tpu.memory_space<hbm>>
        tpu.enqueue_indirect_dma source(%dma_start3A_270 : memref<10000x16xf32, #tpu.memory_space<hbm>>) target(%arg13 : memref<1000x16xf32, #tpu.memory_space<vmem>>) offsets(%arg11 : memref<1000xi32, #tpu.memory_space<vmem>>) semaphore(%arg18 : memref<!tpu.dma_semaphore, #tpu.memory_space<semaphore_mem>>)
        %dma_start3A_271 = arith.constant 0 : i32
        %dma_start3A_272 = arith.constant 0 : i32
        %dma_start3A_273 = tpu.memref_slice %arg3[%dma_start3A_271, %dma_start3A_272] : memref<10000x16xf32, #tpu.memory_space<hbm>> -> memref<10000x16xf32, #tpu.memory_space<hbm>>
        tpu.enqueue_indirect_dma source(%dma_start3A_273 : memref<10000x16xf32, #tpu.memory_space<hbm>>) target(%arg14 : memref<1000x16xf32, #tpu.memory_space<vmem>>) offsets(%arg12 : memref<1000xi32, #tpu.memory_space<vmem>>) semaphore(%arg19 : memref<!tpu.dma_semaphore, #tpu.memory_space<semaphore_mem>>)
      } else {
      }
    }
    %scan3A_24 = arith.constant 5 : i32
    %dma_wait3A = arith.constant 0 : i32
    %dma_wait3A_25 = arith.constant 0 : i32
    %dma_wait3A_26 = tpu.memref_slice %arg6[%dma_wait3A, %dma_wait3A_25] : memref<40000x128xf32, #tpu.memory_space<hbm>> -> memref<1000x16xf32, #tpu.memory_space<hbm>>
    %dma_wait3A_27 = arith.constant 0 : i32
    %dma_wait3A_28 = arith.constant 0 : i32
    %dma_wait3A_29 = tpu.memref_slice %arg6[%dma_wait3A_27, %dma_wait3A_28] : memref<40000x128xf32, #tpu.memory_space<hbm>> -> memref<1000x16xf32, #tpu.memory_space<hbm>>
    tpu.wait_dma2 semaphore(%arg17 : memref<!tpu.dma_semaphore, #tpu.memory_space<semaphore_mem>>) src(%arg9 : memref<1000x16xf32, #tpu.memory_space<vmem>>) dst(%dma_wait3A_29 : memref<1000x16xf32, #tpu.memory_space<hbm>>)
    %dma_wait3A_30 = arith.constant 0 : i32
    %dma_wait3A_31 = arith.constant 0 : i32
    %dma_wait3A_32 = tpu.memref_slice %arg6[%dma_wait3A_30, %dma_wait3A_31] : memref<40000x128xf32, #tpu.memory_space<hbm>> -> memref<1000x16xf32, #tpu.memory_space<hbm>>
    %dma_wait3A_33 = arith.constant 0 : i32
    %dma_wait3A_34 = arith.constant 0 : i32
    %dma_wait3A_35 = tpu.memref_slice %arg6[%dma_wait3A_33, %dma_wait3A_34] : memref<40000x128xf32, #tpu.memory_space<hbm>> -> memref<1000x16xf32, #tpu.memory_space<hbm>>
    tpu.wait_dma2 semaphore(%arg20 : memref<!tpu.dma_semaphore, #tpu.memory_space<semaphore_mem>>) src(%arg13 : memref<1000x16xf32, #tpu.memory_space<vmem>>) dst(%dma_wait3A_35 : memref<1000x16xf32, #tpu.memory_space<hbm>>)
    return
  }
}

module attributes {stable_mosaic.version = 14 : i64} {
  func.func @_proj_body(%arg0: i32, %arg1: memref<2000x128xf32, #tpu.memory_space<vmem>>, %arg2: memref<128x16xf32, #tpu.memory_space<vmem>>, %arg3: memref<128x16xf32, #tpu.memory_space<vmem>>, %arg4: memref<1x16xf32, #tpu.memory_space<vmem>>, %arg5: memref<16x16xf32, #tpu.memory_space<vmem>>, %arg6: memref<1x16xf32, #tpu.memory_space<vmem>>, %arg7: memref<2000x16xf32, #tpu.memory_space<vmem>>, %arg8: memref<2000x16xf32, #tpu.memory_space<vmem>>, %arg9: memref<1x16xf32, #tpu.memory_space<vmem>>) attributes {dimension_semantics = [#tpu.dimension_semantics<arbitrary>], iteration_bounds = array<i64: 5>, scalar_prefetch = 0 : i64, scratch_operands = 0 : i64, tpu.core_type = #tpu.core_type<tc>, window_params = [{transform_indices = @transform_0, window_bounds = array<i64: 2000, 128>}, {pipeline_mode = #tpu.pipeline_mode<synchronous>, transform_indices = @transform_1, window_bounds = array<i64: 128, 16>}, {pipeline_mode = #tpu.pipeline_mode<synchronous>, transform_indices = @transform_2, window_bounds = array<i64: 128, 16>}, {pipeline_mode = #tpu.pipeline_mode<synchronous>, transform_indices = @transform_3, window_bounds = array<i64: 1, 16>}, {pipeline_mode = #tpu.pipeline_mode<synchronous>, transform_indices = @transform_4, window_bounds = array<i64: 16, 16>}, {pipeline_mode = #tpu.pipeline_mode<synchronous>, transform_indices = @transform_5, window_bounds = array<i64: 1, 16>}, {transform_indices = @transform_6, window_bounds = array<i64: 2000, 16>}, {transform_indices = @transform_7, window_bounds = array<i64: 2000, 16>}, {pipeline_mode = #tpu.pipeline_mode<synchronous>, transform_indices = @transform_8, window_bounds = array<i64: 1, 16>}]} {
    %get3A = arith.constant 0 : index
    %get3A_0 = arith.constant 0 : index
    %get3A_1 = vector.load %arg1[%get3A, %get3A_0] : memref<2000x128xf32, #tpu.memory_space<vmem>>, vector<2000x128xf32>
    %get3A_2 = arith.constant 0 : index
    %get3A_3 = arith.constant 0 : index
    %get3A_4 = vector.load %arg2[%get3A_2, %get3A_3] : memref<128x16xf32, #tpu.memory_space<vmem>>, vector<128x16xf32>
    %dot_general3A = arith.constant dense<0.000000e+00> : vector<2000x16xf32>
    %dot_general3A_5 = tpu.matmul %get3A_1, %get3A_4, %dot_general3A {dimension_numbers = #tpu.dot_dimension_numbers<[1], [0], [0], [1], [0, 0, 1, 1], [], []>, precision = #tpu.contract_precision<fp32>, transpose_lhs_hint = false} : vector<2000x128xf32>, vector<128x16xf32>, vector<2000x16xf32> -> vector<2000x16xf32>
    %swap3A = arith.constant 0 : index
    %swap3A_6 = arith.constant 0 : index
    %swap3A_7 = vector.load %arg7[%swap3A, %swap3A_6] : memref<2000x16xf32, #tpu.memory_space<vmem>>, vector<2000x16xf32>
    tpu.vector_store %arg7[%swap3A, %swap3A_6], %dot_general3A_5 {strides = array<i32>} : memref<2000x16xf32, #tpu.memory_space<vmem>>, vector<2000x16xf32>,
    %get3A_8 = arith.constant 0 : index
    %get3A_9 = arith.constant 0 : index
    %get3A_10 = vector.load %arg3[%get3A_8, %get3A_9] : memref<128x16xf32, #tpu.memory_space<vmem>>, vector<128x16xf32>
    %dot_general3A_11 = arith.constant dense<0.000000e+00> : vector<2000x16xf32>
    %dot_general3A_12 = tpu.matmul %get3A_1, %get3A_10, %dot_general3A_11 {dimension_numbers = #tpu.dot_dimension_numbers<[1], [0], [0], [1], [0, 0, 1, 1], [], []>, precision = #tpu.contract_precision<fp32>, transpose_lhs_hint = false} : vector<2000x128xf32>, vector<128x16xf32>, vector<2000x16xf32> -> vector<2000x16xf32>
    %swap3A_13 = arith.constant 0 : index
    %swap3A_14 = arith.constant 0 : index
    %swap3A_15 = vector.load %arg8[%swap3A_13, %swap3A_14] : memref<2000x16xf32, #tpu.memory_space<vmem>>, vector<2000x16xf32>
    tpu.vector_store %arg8[%swap3A_13, %swap3A_14], %dot_general3A_12 {strides = array<i32>} : memref<2000x16xf32, #tpu.memory_space<vmem>>, vector<2000x16xf32>,
    %get3A_16 = arith.constant 0 : index
    %get3A_17 = arith.constant 0 : index
    %get3A_18 = vector.load %arg4[%get3A_16, %get3A_17] : memref<1x16xf32, #tpu.memory_space<vmem>>, vector<1x16xf32>
    %get3A_19 = arith.constant 0 : index
    %get3A_20 = arith.constant 0 : index
    %get3A_21 = vector.load %arg5[%get3A_19, %get3A_20] : memref<16x16xf32, #tpu.memory_space<vmem>>, vector<16x16xf32>
    %dot_general3A_22 = arith.constant dense<0.000000e+00> : vector<1x16xf32>
    %dot_general3A_23 = tpu.matmul %get3A_18, %get3A_21, %dot_general3A_22 {dimension_numbers = #tpu.dot_dimension_numbers<[1], [0], [0], [1], [0, 0, 1, 1], [], []>, precision = #tpu.contract_precision<fp32>, transpose_lhs_hint = false} : vector<1x16xf32>, vector<16x16xf32>, vector<1x16xf32> -> vector<1x16xf32>
    %get3A_24 = arith.constant 0 : index
    %get3A_25 = arith.constant 0 : index
    %get3A_26 = vector.load %arg6[%get3A_24, %get3A_25] : memref<1x16xf32, #tpu.memory_space<vmem>>, vector<1x16xf32>
    %add3A = arith.addf %dot_general3A_23, %get3A_26 : vector<1x16xf32>
    %swap3A_27 = arith.constant 0 : index
    %swap3A_28 = arith.constant 0 : index
    %swap3A_29 = vector.load %arg9[%swap3A_27, %swap3A_28] : memref<1x16xf32, #tpu.memory_space<vmem>>, vector<1x16xf32>
    tpu.vector_store %arg9[%swap3A_27, %swap3A_28], %add3A {strides = array<i32>} : memref<1x16xf32, #tpu.memory_space<vmem>>, vector<1x16xf32>,
    return
  }
  func.func @transform_0(%arg0: i32) -> (i32, i32) {
    %c0_i32 = arith.constant 0 : i32
    %c0_i32_0 = arith.constant 0 : i32
    return %arg0, %c0_i32 : i32, i32
  }
  func.func @transform_1(%arg0: i32) -> (i32, i32) {
    %c0_i32 = arith.constant 0 : i32
    %c0_i32_0 = arith.constant 0 : i32
    %c0_i32_1 = arith.constant 0 : i32
    return %c0_i32, %c0_i32_0 : i32, i32
  }
  func.func @transform_2(%arg0: i32) -> (i32, i32) {
    %c0_i32 = arith.constant 0 : i32
    %c0_i32_0 = arith.constant 0 : i32
    %c0_i32_1 = arith.constant 0 : i32
    return %c0_i32, %c0_i32_0 : i32, i32
  }
  func.func @transform_3(%arg0: i32) -> (i32, i32) {
    %c0_i32 = arith.constant 0 : i32
    %c0_i32_0 = arith.constant 0 : i32
    %c0_i32_1 = arith.constant 0 : i32
    return %c0_i32, %c0_i32_0 : i32, i32
  }
  func.func @transform_4(%arg0: i32) -> (i32, i32) {
    %c0_i32 = arith.constant 0 : i32
    %c0_i32_0 = arith.constant 0 : i32
    %c0_i32_1 = arith.constant 0 : i32
    return %c0_i32, %c0_i32_0 : i32, i32
  }
  func.func @transform_5(%arg0: i32) -> (i32, i32) {
    %c0_i32 = arith.constant 0 : i32
    %c0_i32_0 = arith.constant 0 : i32
    %c0_i32_1 = arith.constant 0 : i32
    return %c0_i32, %c0_i32_0 : i32, i32
  }
  func.func @transform_6(%arg0: i32) -> (i32, i32) {
    %c0_i32 = arith.constant 0 : i32
    %c0_i32_0 = arith.constant 0 : i32
    return %arg0, %c0_i32 : i32, i32
  }
  func.func @transform_7(%arg0: i32) -> (i32, i32) {
    %c0_i32 = arith.constant 0 : i32
    %c0_i32_0 = arith.constant 0 : i32
    return %arg0, %c0_i32 : i32, i32
  }
  func.func @transform_8(%arg0: i32) -> (i32, i32) {
    %c0_i32 = arith.constant 0 : i32
    %c0_i32_0 = arith.constant 0 : i32
    %c0_i32_1 = arith.constant 0 : i32
    return %c0_i32, %c0_i32_0 : i32, i32
  }
}

module attributes {stable_mosaic.version = 14 : i64} {
  func.func @_combine_body(%arg0: i32, %arg1: memref<16x16000xf32, #tpu.memory_space<vmem>>, %arg2: memref<2000x128xf32, #tpu.memory_space<vmem>>, %arg3: memref<16x16xf32, #tpu.memory_space<vmem>>, %arg4: memref<16x1xf32, #tpu.memory_space<vmem>>, %arg5: memref<128x128xf32, #tpu.memory_space<vmem>>, %arg6: memref<16x16000xf32, #tpu.memory_space<vmem>>) attributes {dimension_semantics = [#tpu.dimension_semantics<arbitrary>], iteration_bounds = array<i64: 20>, scalar_prefetch = 0 : i64, scratch_operands = 0 : i64, tpu.core_type = #tpu.core_type<tc>, window_params = [{transform_indices = @transform_0, window_bounds = array<i64: 16, 16000>}, {transform_indices = @transform_1, window_bounds = array<i64: 2000, 128>}, {pipeline_mode = #tpu.pipeline_mode<synchronous>, transform_indices = @transform_2, window_bounds = array<i64: 16, 16>}, {pipeline_mode = #tpu.pipeline_mode<synchronous>, transform_indices = @transform_3, window_bounds = array<i64: 16, 1>}, {pipeline_mode = #tpu.pipeline_mode<synchronous>, transform_indices = @transform_4, window_bounds = array<i64: 128, 128>}, {transform_indices = @transform_5, window_bounds = array<i64: 16, 16000>}]} {
    %get3A = arith.constant 0 : index
    %get3A_0 = arith.constant 0 : index
    %get3A_1 = vector.load %arg3[%get3A, %get3A_0] : memref<16x16xf32, #tpu.memory_space<vmem>>, vector<16x16xf32>
    %get3A_2 = arith.constant 0 : index
    %get3A_3 = arith.constant 0 : index
    %get3A_4 = vector.load %arg1[%get3A_2, %get3A_3] : memref<16x16000xf32, #tpu.memory_space<vmem>>, vector<16x16000xf32>
    %dot_general3A = arith.constant dense<0.000000e+00> : vector<16x16000xf32>
    %dot_general3A_5 = tpu.matmul %get3A_1, %get3A_4, %dot_general3A {dimension_numbers = #tpu.dot_dimension_numbers<[1], [0], [0], [1], [0, 0, 1, 1], [], []>, precision = #tpu.contract_precision<fp32>, transpose_lhs_hint = false} : vector<16x16xf32>, vector<16x16000xf32>, vector<16x16000xf32> -> vector<16x16000xf32>
    %get3A_6 = arith.constant 0 : index
    %get3A_7 = arith.constant 0 : index
    %get3A_8 = vector.load %arg4[%get3A_6, %get3A_7] : memref<16x1xf32, #tpu.memory_space<vmem>>, vector<16x1xf32>
    %get3A_9 = arith.constant 0 : index
    %get3A_10 = arith.constant 0 : index
    %get3A_11 = vector.load %arg5[%get3A_9, %get3A_10] : memref<128x128xf32, #tpu.memory_space<vmem>>, vector<128x128xf32>
    %get3A_12 = arith.constant 0 : index
    %get3A_13 = arith.constant 0 : index
    %get3A_14 = vector.load %arg2[%get3A_12, %get3A_13] : memref<2000x128xf32, #tpu.memory_space<vmem>>, vector<2000x128xf32>
    %dot_general3A_15 = arith.constant dense<0.000000e+00> : vector<128x2000xf32>
    %dot_general3A_16 = tpu.matmul %get3A_11, %get3A_14, %dot_general3A_15 {dimension_numbers = #tpu.dot_dimension_numbers<[1], [1], [0], [0], [0, 0, 1, 0], [], []>, transpose_lhs_hint = false} : vector<128x128xf32>, vector<2000x128xf32>, vector<128x2000xf32> -> vector<128x2000xf32>
    %slice3A = vector.extract_strided_slice %dot_general3A_5 {offsets = [0, 0], sizes = [16, 2000], strides = [1, 1]} : vector<16x16000xf32> to vector<16x2000xf32>
    %slice3A_17 = vector.extract_strided_slice %dot_general3A_16 {offsets = [0, 0], sizes = [16, 2000], strides = [1, 1]} : vector<128x2000xf32> to vector<16x2000xf32>
    %add3A = arith.addf %slice3A, %slice3A_17 : vector<16x2000xf32>
    %add3A_18 = vector.broadcast %get3A_8 : vector<16x1xf32> to vector<16x2000xf32>
    %add3A_19 = arith.addf %add3A, %add3A_18 : vector<16x2000xf32>
    %swap3A = arith.constant 0 : index
    %swap3A_20 = arith.constant 0 : index
    %swap3A_21 = vector.load %arg6[%swap3A, %swap3A_20] : memref<16x16000xf32, #tpu.memory_space<vmem>>, vector<16x2000xf32>
    tpu.vector_store %arg6[%swap3A, %swap3A_20], %add3A_19 {strides = array<i32>} : memref<16x16000xf32, #tpu.memory_space<vmem>>, vector<16x2000xf32>,
    %slice3A_22 = vector.extract_strided_slice %dot_general3A_5 {offsets = [0, 2000], sizes = [16, 2000], strides = [1, 1]} : vector<16x16000xf32> to vector<16x2000xf32>
    %slice3A_23 = vector.extract_strided_slice %dot_general3A_16 {offsets = [16, 0], sizes = [16, 2000], strides = [1, 1]} : vector<128x2000xf32> to vector<16x2000xf32>
    %add3A_24 = arith.addf %slice3A_22, %slice3A_23 : vector<16x2000xf32>
    %add3A_25 = vector.broadcast %get3A_8 : vector<16x1xf32> to vector<16x2000xf32>
    %add3A_26 = arith.addf %add3A_24, %add3A_25 : vector<16x2000xf32>
    %swap3A_27 = arith.constant 0 : index
    %swap3A_28 = arith.constant 2000 : index
    %swap3A_29 = vector.load %arg6[%swap3A_27, %swap3A_28] : memref<16x16000xf32, #tpu.memory_space<vmem>>, vector<16x2000xf32>
    tpu.vector_store %arg6[%swap3A_27, %swap3A_28], %add3A_26 {strides = array<i32>} : memref<16x16000xf32, #tpu.memory_space<vmem>>, vector<16x2000xf32>,
    %slice3A_30 = vector.extract_strided_slice %dot_general3A_5 {offsets = [0, 4000], sizes = [16, 2000], strides = [1, 1]} : vector<16x16000xf32> to vector<16x2000xf32>
    %slice3A_31 = vector.extract_strided_slice %dot_general3A_16 {offsets = [32, 0], sizes = [16, 2000], strides = [1, 1]} : vector<128x2000xf32> to vector<16x2000xf32>
    %add3A_32 = arith.addf %slice3A_30, %slice3A_31 : vector<16x2000xf32>
    %add3A_33 = vector.broadcast %get3A_8 : vector<16x1xf32> to vector<16x2000xf32>
    %add3A_34 = arith.addf %add3A_32, %add3A_33 : vector<16x2000xf32>
    %swap3A_35 = arith.constant 0 : index
    %swap3A_36 = arith.constant 4000 : index
    %swap3A_37 = vector.load %arg6[%swap3A_35, %swap3A_36] : memref<16x16000xf32, #tpu.memory_space<vmem>>, vector<16x2000xf32>
    tpu.vector_store %arg6[%swap3A_35, %swap3A_36], %add3A_34 {strides = array<i32>} : memref<16x16000xf32, #tpu.memory_space<vmem>>, vector<16x2000xf32>,
    %slice3A_38 = vector.extract_strided_slice %dot_general3A_5 {offsets = [0, 6000], sizes = [16, 2000], strides = [1, 1]} : vector<16x16000xf32> to vector<16x2000xf32>
    %slice3A_39 = vector.extract_strided_slice %dot_general3A_16 {offsets = [48, 0], sizes = [16, 2000], strides = [1, 1]} : vector<128x2000xf32> to vector<16x2000xf32>
    %add3A_40 = arith.addf %slice3A_38, %slice3A_39 : vector<16x2000xf32>
    %add3A_41 = vector.broadcast %get3A_8 : vector<16x1xf32> to vector<16x2000xf32>
    %add3A_42 = arith.addf %add3A_40, %add3A_41 : vector<16x2000xf32>
    %swap3A_43 = arith.constant 0 : index
    %swap3A_44 = arith.constant 6000 : index
    %swap3A_45 = vector.load %arg6[%swap3A_43, %swap3A_44] : memref<16x16000xf32, #tpu.memory_space<vmem>>, vector<16x2000xf32>
    tpu.vector_store %arg6[%swap3A_43, %swap3A_44], %add3A_42 {strides = array<i32>} : memref<16x16000xf32, #tpu.memory_space<vmem>>, vector<16x2000xf32>,
    %slice3A_46 = vector.extract_strided_slice %dot_general3A_5 {offsets = [0, 8000], sizes = [16, 2000], strides = [1, 1]} : vector<16x16000xf32> to vector<16x2000xf32>
    %slice3A_47 = vector.extract_strided_slice %dot_general3A_16 {offsets = [64, 0], sizes = [16, 2000], strides = [1, 1]} : vector<128x2000xf32> to vector<16x2000xf32>
    %add3A_48 = arith.addf %slice3A_46, %slice3A_47 : vector<16x2000xf32>
    %add3A_49 = vector.broadcast %get3A_8 : vector<16x1xf32> to vector<16x2000xf32>
    %add3A_50 = arith.addf %add3A_48, %add3A_49 : vector<16x2000xf32>
    %swap3A_51 = arith.constant 0 : index
    %swap3A_52 = arith.constant 8000 : index
    %swap3A_53 = vector.load %arg6[%swap3A_51, %swap3A_52] : memref<16x16000xf32, #tpu.memory_space<vmem>>, vector<16x2000xf32>
    tpu.vector_store %arg6[%swap3A_51, %swap3A_52], %add3A_50 {strides = array<i32>} : memref<16x16000xf32, #tpu.memory_space<vmem>>, vector<16x2000xf32>,
    %slice3A_54 = vector.extract_strided_slice %dot_general3A_5 {offsets = [0, 10000], sizes = [16, 2000], strides = [1, 1]} : vector<16x16000xf32> to vector<16x2000xf32>
    %slice3A_55 = vector.extract_strided_slice %dot_general3A_16 {offsets = [80, 0], sizes = [16, 2000], strides = [1, 1]} : vector<128x2000xf32> to vector<16x2000xf32>
    %add3A_56 = arith.addf %slice3A_54, %slice3A_55 : vector<16x2000xf32>
    %add3A_57 = vector.broadcast %get3A_8 : vector<16x1xf32> to vector<16x2000xf32>
    %add3A_58 = arith.addf %add3A_56, %add3A_57 : vector<16x2000xf32>
    %swap3A_59 = arith.constant 0 : index
    %swap3A_60 = arith.constant 10000 : index
    %swap3A_61 = vector.load %arg6[%swap3A_59, %swap3A_60] : memref<16x16000xf32, #tpu.memory_space<vmem>>, vector<16x2000xf32>
    tpu.vector_store %arg6[%swap3A_59, %swap3A_60], %add3A_58 {strides = array<i32>} : memref<16x16000xf32, #tpu.memory_space<vmem>>, vector<16x2000xf32>,
    %slice3A_62 = vector.extract_strided_slice %dot_general3A_5 {offsets = [0, 12000], sizes = [16, 2000], strides = [1, 1]} : vector<16x16000xf32> to vector<16x2000xf32>
    %slice3A_63 = vector.extract_strided_slice %dot_general3A_16 {offsets = [96, 0], sizes = [16, 2000], strides = [1, 1]} : vector<128x2000xf32> to vector<16x2000xf32>
    %add3A_64 = arith.addf %slice3A_62, %slice3A_63 : vector<16x2000xf32>
    %add3A_65 = vector.broadcast %get3A_8 : vector<16x1xf32> to vector<16x2000xf32>
    %add3A_66 = arith.addf %add3A_64, %add3A_65 : vector<16x2000xf32>
    %swap3A_67 = arith.constant 0 : index
    %swap3A_68 = arith.constant 12000 : index
    %swap3A_69 = vector.load %arg6[%swap3A_67, %swap3A_68] : memref<16x16000xf32, #tpu.memory_space<vmem>>, vector<16x2000xf32>
    tpu.vector_store %arg6[%swap3A_67, %swap3A_68], %add3A_66 {strides = array<i32>} : memref<16x16000xf32, #tpu.memory_space<vmem>>, vector<16x2000xf32>,
    %slice3A_70 = vector.extract_strided_slice %dot_general3A_5 {offsets = [0, 14000], sizes = [16, 2000], strides = [1, 1]} : vector<16x16000xf32> to vector<16x2000xf32>
    %slice3A_71 = vector.extract_strided_slice %dot_general3A_16 {offsets = [112, 0], sizes = [16, 2000], strides = [1, 1]} : vector<128x2000xf32> to vector<16x2000xf32>
    %add3A_72 = arith.addf %slice3A_70, %slice3A_71 : vector<16x2000xf32>
    %add3A_73 = vector.broadcast %get3A_8 : vector<16x1xf32> to vector<16x2000xf32>
    %add3A_74 = arith.addf %add3A_72, %add3A_73 : vector<16x2000xf32>
    %swap3A_75 = arith.constant 0 : index
    %swap3A_76 = arith.constant 14000 : index
    %swap3A_77 = vector.load %arg6[%swap3A_75, %swap3A_76] : memref<16x16000xf32, #tpu.memory_space<vmem>>, vector<16x2000xf32>
    tpu.vector_store %arg6[%swap3A_75, %swap3A_76], %add3A_74 {strides = array<i32>} : memref<16x16000xf32, #tpu.memory_space<vmem>>, vector<16x2000xf32>,
    return
  }
  func.func @transform_0(%arg0: i32) -> (i32, i32) {
    %c0_i32 = arith.constant 0 : i32
    %c0_i32_0 = arith.constant 0 : i32
    return %c0_i32, %arg0 : i32, i32
  }
  func.func @transform_1(%arg0: i32) -> (i32, i32) {
    %c0_i32 = arith.constant 0 : i32
    %c0_i32_0 = arith.constant 0 : i32
    return %arg0, %c0_i32 : i32, i32
  }
  func.func @transform_2(%arg0: i32) -> (i32, i32) {
    %c0_i32 = arith.constant 0 : i32
    %c0_i32_0 = arith.constant 0 : i32
    %c0_i32_1 = arith.constant 0 : i32
    return %c0_i32, %c0_i32_0 : i32, i32
  }
  func.func @transform_3(%arg0: i32) -> (i32, i32) {
    %c0_i32 = arith.constant 0 : i32
    %c0_i32_0 = arith.constant 0 : i32
    %c0_i32_1 = arith.constant 0 : i32
    return %c0_i32, %c0_i32_0 : i32, i32
  }
  func.func @transform_4(%arg0: i32) -> (i32, i32) {
    %c0_i32 = arith.constant 0 : i32
    %c0_i32_0 = arith.constant 0 : i32
    %c0_i32_1 = arith.constant 0 : i32
    return %c0_i32, %c0_i32_0 : i32, i32
  }
  func.func @transform_5(%arg0: i32) -> (i32, i32) {
    %c0_i32 = arith.constant 0 : i32
    %c0_i32_0 = arith.constant 0 : i32
    return %c0_i32, %arg0 : i32, i32
  }
}

</mosaic_0001>

<sc_bundles>
// kernel: kernel.5.cloned.1.call-start
scs
__scs_entry_jumppad:
0x0: {  	(pc) =	sbr.rel $0x88, $3  }
0x1: {  	(tag) =	ssettag $0x0;
	lr =	simm.s32 $0x1  }
0x2: {  	[smem:$0x3F9A] =	sst lr;
	_ =	strace $0xD0000000  }
0x3: {  	_ = 	snop  }
0x4: {  	_ = 	snop  }
0x5: {  	_ = 	snop  }
0x6: {  	_ = 	snop  }
0x7: {  	_ = 	snop  }
__scs_overlays_trampoline_lowered:
0x8: {  	[smem:$0x3FA9] =	sst s0  }
0x9: {  	[smem:$0x3FAA] =	sst s1  }
0xa: {  	[smem:$0x3FAB] =	sst s2  }
0xb: {  	[smem:$0x3FAC] =	sst s3  }
0xc: {  	[smem:$0x3FAD] =	sst s4  }
0xd: {  	[smem:$0x3FAE] =	sst s5  }
0xe: {  	[smem:$0x3FAF] =	sst s6  }
0xf: {  	[smem:$0x3FB0] =	sst s7  }
0x10: {  	[smem:$0x3FB1] =	sst s8  }
0x11: {  	[smem:$0x3FB2] =	sst s9;
	s0 =	simm.s32 @!p0 $0x0  }
0x12: {  	s1 =	sld [smem:$0x3F98];
	s0 =	simm.s32 @p0 $0x1  }
0x13: {  	[smem:$0x3FB3] =	sst s0;
	s0 =	simm.s32 @!p1 $0x0  }
0x14: {  	s2 =	sld [smem:$0x3F97];
	s0 =	simm.s32 @p1 $0x1  }
0x15: {  	[smem:$0x3FB4] =	sst s0;
	s0 =	simm.s32 @!p2 $0x0  }
0x16: {  	s3 =	sld [smem:$0x3FDB];
	s0 =	simm.s32 @p2 $0x1  }
0x17: {  	s4 =	simm.s32 $0x1BF5;
	[smem:$0x3FB6] =	sst s0  }
0x18: {  	s0 =	sld [smem:$0x3F99];
	_ =	swait.ge [sflag:s4], $0x0  }
0x19: {  	s7 =	sld [smem:$0x3F9A]  }
0x1a: {  	s8 =	sadd.s32 $0xFFFFE003, lr  }
0x1b: {  	s9 =	sadd.s32 $0xFFFFFEF7, lr;
	s5 =	simm.s32 $0xFFFFFFFF;
	p2 =	slt.u32 s8, $0xFFFFF086  }
0x1c: {  	p1 =	slt.u32 s9, $0xF7A;
	s5 =	simm.s32 @!p2 $0x0  }
0x1d: {  	s5 =	simm.s32 @p1 $0x1;
	p0 =	seq.s32 s7, s2  }
0x1e: {  	s7 =	smul.u32 @!p0 $0xF7A, s2;
	p2 =	seq.s32 @!p0 s5, $0x0  }
0x1f: {  	s9 =	smul.u32 $0xF7A, s1;
	s8 =	simm.s32 @!p0 $0x1BF5;
	p2 =	por !p2, p0  }
0x20: {  	[sflag:s8] =	ssyncset.s32 @!p0 $0xFFFFF086;
	s6 =	sadd.s32 @!p0 s3, s7;
	s7 =	simm.s32 @!p0 $0x108  }
0x21: {  	s3 =	sadd.s32 s3, s9;
	s6 =	sadd.s32 @!p0 $0x88, s6;
	s7 =	simm.s32 @p2 $0x1082  }
0x22: {  	[simem:s7], [sflag:s8] =	dma.local @!p0 [hbm:s6], $0xF7A  }
0x23: {  	s9 =	sor.u32 $0xD0000000, s2;
	s6 =	simm.s32 $0x108;
	_ =	swait.ge @!p0 [sflag:s8], $0x0  }
0x24: {  	s3 =	sadd.s32 $0x88, s3;
	s6 =	simm.s32 @!p1 $0x1082;
	[sflag:s4] =	ssyncset.s32 $0xFFFFF086  }
0x25: {  	[simem:s6], [sflag:s4] =	dma.local [hbm:s3], $0xF7A  }
0x26: {  	[smem:$0x3F9A] =	sst s1;
	(tag) =	ssettag s2;
	_ =	strace s9  }
0x27: {  	s1 =	sld [smem:$0x3FAA]  }
0x28: {  	s2 =	sld [smem:$0x3FAB]  }
0x29: {  	s4 =	sld [smem:$0x3FAD]  }
0x2a: {  	p0 =	seq.s32 s5, $0x0;
	s5 =	sld [smem:$0x3FAE]  }
0x2b: {  	s6 =	sld [smem:$0x3FAF]  }
0x2c: {  	s7 =	sld [smem:$0x3FB0]  }
0x2d: {  	s3 =	simm.s32 $0x108;
	s8 =	sld [smem:$0x3FB1]  }
0x2e: {  	s3 =	simm.s32 @!p0 $0x1082;
	s9 =	sld [smem:$0x3FB2]  }
0x2f: {  	lr =	sadd.s32 s0, s3;
	s0 =	sld [smem:$0x3FA9]  }
0x30: {  	s3 =	sld [smem:$0x3FAC]  }
0x31: {  	[smem:$0x3FB5] =	sst s10  }
0x32: {  	s10 =	sld [smem:$0x3FB3];
	_ =	sdelay $0x3  }
0x33: {  	p0 =	seq.s32 s10, $0x1;
	s10 =	sld [smem:$0x3FB5];
	_ =	sdelay $0x3  }
0x34: {  	[smem:$0x3FB5] =	sst s10  }
0x35: {  	s10 =	sld [smem:$0x3FB4];
	_ =	sdelay $0x3  }
0x36: {  	p1 =	seq.s32 s10, $0x1;
	s10 =	sld [smem:$0x3FB5];
	_ =	sdelay $0x3  }
0x37: {  	[smem:$0x3FB5] =	sst s10  }
0x38: {  	s10 =	sld [smem:$0x3FB6]  }
0x39: {  	_ = 	snop;
	(pc) =	sbr.ind lr, $3  }
0x3a: {  	_ = 	snop  }
0x3b: {  	_ = 	snop  }
0x3c: {  	p2 =	seq.s32 s10, $0x1;
	s10 =	sld [smem:$0x3FB5]  }
0x3d: {  	_ =	shalt  }
0x3e: {  	_ =	shalt  }
0x3f: {  	_ =	shalt  }
0x40: {  	_ =	shalt  }
0x41: {  	_ =	shalt  }
0x42: {  	_ =	shalt  }
0x43: {  	_ =	shalt  }
0x44: {  	_ =	shalt  }
0x45: {  	_ =	shalt  }
0x46: {  	_ =	shalt  }
0x47: {  	_ =	shalt  }
0x48: {  	_ =	shalt  }
0x49: {  	_ =	shalt  }
0x4a: {  	_ =	shalt  }
0x4b: {  	_ =	shalt  }
0x4c: {  	_ =	shalt  }
0x4d: {  	_ =	shalt  }
0x4e: {  	_ =	shalt  }
0x4f: {  	_ =	shalt  }
0x50: {  	_ =	shalt  }
0x51: {  	_ =	shalt  }
0x52: {  	_ =	shalt  }
0x53: {  	_ =	shalt  }
0x54: {  	_ =	shalt  }
0x55: {  	_ =	shalt  }
0x56: {  	_ =	shalt  }
0x57: {  	_ =	shalt  }
0x58: {  	_ =	shalt  }
0x59: {  	_ =	shalt  }
0x5a: {  	_ =	shalt  }
0x5b: {  	_ =	shalt  }
0x5c: {  	_ =	shalt  }
0x5d: {  	_ =	shalt  }
0x5e: {  	_ =	shalt  }
0x5f: {  	_ =	shalt  }
0x60: {  	_ =	shalt  }
0x61: {  	_ =	shalt  }
0x62: {  	_ =	shalt  }
0x63: {  	_ =	shalt  }
0x64: {  	_ =	shalt  }
0x65: {  	_ =	shalt  }
0x66: {  	_ =	shalt  }
0x67: {  	_ =	shalt  }
0x68: {  	_ =	shalt  }
0x69: {  	_ =	shalt  }
0x6a: {  	_ =	shalt  }
0x6b: {  	_ =	shalt  }
0x6c: {  	_ =	shalt  }
0x6d: {  	_ =	shalt  }
0x6e: {  	_ =	shalt  }
0x6f: {  	_ =	shalt  }
0x70: {  	_ =	shalt  }
0x71: {  	_ =	shalt  }
0x72: {  	_ =	shalt  }
0x73: {  	_ =	shalt  }
0x74: {  	_ =	shalt  }
0x75: {  	_ =	shalt  }
0x76: {  	_ =	shalt  }
0x77: {  	_ =	shalt  }
0x78: {  	_ =	shalt  }
0x79: {  	_ =	shalt  }
0x7a: {  	_ =	shalt  }
0x7b: {  	_ =	shalt  }
0x7c: {  	_ =	shalt  }
0x7d: {  	_ =	shalt  }
0x7e: {  	_ =	shalt  }
0x7f: {  	_ =	shalt  }
0x80: {  	_ =	shalt  }
0x81: {  	_ =	shalt  }
0x82: {  	_ =	shalt  }
0x83: {  	_ =	shalt  }
0x84: {  	_ =	shalt  }
0x85: {  	_ =	shalt  }
0x86: {  	_ =	shalt  }
0x87: {  	_ =	shalt  }
.Lfunc_end0:
.L_simem_size_0:
called_computation_lowered:
.L_overlay_start_0:
0x88: {  	s2 =	sld [smem:$0x3FD9]  }
0x89: {  	s3 =	sld [smem:$0x3FFE];
	_ =	sdelay $0x1  }
0x8a: {  	s1 =	srdreg.scid  }
0x8b: {  	s0 =	sand.u32 $0x1, s1  }
0x8c: {  	s17 =	sshll.u32 s0, $0xA;
	s2 =	sadd.s32 s3, s2  }
0x8d: {  	s2 =	sadd.s32 s2, s17  }
0x8e: {  	[smem:$0x3FC1] =	sst s2  }
0x8f: {  	_ = 	snop  }
0x90: {  	s2 =	sld [smem:$0x3FC6]  }
0x91: {  	s18 =	sld [smem:$0x3FC5]  }
0x92: {  	s4 =	sld [smem:$0x3FD0];
	(tm) =	ssettm $0x1  }
0x93: {  	s5 =	sld [smem:$0x3FFB];
	_ =	sdelay $0x3  }
0x94: {  	_ =	strace s5  }
0x95: {  	s5 =	sld [smem:$0x3FFC];
	_ =	sdelay $0x3  }
0x96: {  	_ =	strace s5  }
0x97: {  	s5 =	sld [smem:$0x3FFD];
	_ =	sdelay $0x3  }
0x98: {  	_ =	strace s5  }
0x99: {  	_ =	strace $0x8FFFFFFF  }
0x9a: {  	s19 =	sld [smem:$0x3FDB];
	_ =	sdelay $0x1  }
0x9b: {  	s6 =	simm.s32 $_scs_section_size  }
0x9c: {  	s7 =	simm.s32 $_size__tile_overlayer_lowered;
	s8 =	simm.s32 $_tile_overlayer_lowered  }
0x9d: {  	s22 =	simm.s32 $0x1BFF;
	s21 =	sshll.u32 s8, $0x1;
	s5 =	sadd.s32 s6, s19  }
0x9e: {  	s9 =	simm.s32 $0x0;
	s20 =	sshll.u32 s7, $0x1;
	s7 =	sadd.s32 s21, s5  }
0x9f: {  	[timem:s9], [sflag:s22] =	dma.local [hbm:s7], s20  }
0xa0: {  	_ =	swait.ge [sflag:s22], s20  }
0xa1: {  	s6 =	ssub.s32 $0x0, s20;
	[sflag:s22] =	ssyncset.done $0x0  }
0xa2: {  	[sflag:s22] =	ssyncadd.s32 s6;
	_ =	sdelay $0x1  }
0xa3: {  	s23 =	simm.s32 $0x1B8B  }
0xa4: {  	_ =	swait.ge [sflag:s23], $0x1  }
0xa5: {  	[sflag:s23] =	ssyncset.done $0x0  }
0xa6: {  	s25 =	simm.s32 $0x1B8E;
	s24 =	sld [smem:$0x3FFE];
	[sflag:s23] =	ssyncadd.s32 $0xFFFFFFFF  }
0xa7: {  	s26 =	simm.s32 $execute0_lowered;
	[smem:$0x3FD2] =	sst s25  }
0xa8: {  	s7 =	sshll.u32 s26, $0x1;
	_ =	strace $0x80000046;
	[dreg:$0x1] =	wrdreg $0xFFFFFFFF  }
0xa9: {  	s28 =	simm.s32 $_size_execute0_lowered;
	s5 =	sadd.s32 s5, s7;
	[dreg:$0x0] =	wrdreg $0x0  }
0xaa: {  	s7 =	sshll.u32 s28, $0x1;
	[dreg:$0x2] =	wrdreg s5  }
0xab: {  	[dreg:$0x3] =	wrdreg s7  }
0xac: {  	[dreg:$0x4] =	wrdreg $0xC0  }
0xad: {  	_ =	task [dreg:s9], $0x5FFFF  }
0xae: {  	[dreg:$0x1] =	wrdreg $0xFFFFFFFF  }
0xaf: {  	[dreg:$0x0] =	wrdreg $0x60  }
0xb0: {  	[dreg:$0x2] =	wrdreg s4  }
0xb1: {  	[dreg:$0x3] =	wrdreg s24  }
0xb2: {  	[dreg:$0x4] =	wrdreg s2  }
0xb3: {  	[dreg:$0x5] =	wrdreg s18  }
0xb4: {  	[dreg:$0x6] =	wrdreg $0x9  }
0xb5: {  	_ =	task.clear_ibuf [dreg:s9], $0x7FFFF;
	_ =	strace $0x90000046  }
0xb6: {  	s29 =	simm.s32 $0x9;
	_ =	strace $0x80000048  }
0xb7: {  	_ =	swait.ge [sflag:s29], $0x1  }
0xb8: {  	[sflag:s29] =	ssyncadd.s32 $0xFFFFFFFF  }
0xb9: {  	_ =	strace $0x90000048  }
0xba: {  	_ =	sfence  }
0xbb: {  	s30 =	sld [smem:$0x0];
	_ =	sdelay $0x2  }
0xbc: {  	s31 =	sshll.u32 s1, $0xD;
	s1 =	sshrl.u32 s1, $0x2  }
0xbd: {  	s3 =	sand.u32 $0x4000, s31;
	s1 =	sadd.s32 s1, s30  }
0xbe: {  	s0 =	sor.u32 s3, s0;
	s1 =	sshll.u32 s1, $0x11  }
0xbf: {  	s0 =	sor.u32 s1, s0  }
0xc0: {  	s0 =	sadd.s32 $0x8F2B, s0  }
0xc1: {  	[sflag:s0] =	ssyncadd.remote.s32 $0x1  }
0xc2: {  	_ =	sfence.sel $0xFFFF  }
0xc3: {  	[dreg:$0x0] =	wrdreg $0xFFFFFFFF;
	(pc) =	sbr.abs _section_cstart, $3  }
0xc4: {  	[dreg:$0x1] =	wrdreg $0xFFFFFFFF  }
0xc5: {  	_ =	task.clear_ibuf [dreg:s9], $0x2FFFF;
	_ =	strace $0x9FFFFFFF  }
0xc6: {  	(tm) =	ssettm $0x7FFFFFFF  }
0xc7: {  	_ =	shalt  }
tec
execute0_lowered:
.L_overlay_start_1:
0x0: {  	(tag) =	ssettag $0x1  }
0x1: {  	s1 =	rddreg [dreg:$0x0]  }
0x2: {  	s0 =	rddreg [dreg:$0x1]  }
0x3: {  	s2 =	rddreg [dreg:$0x2]  }
0x4: {  	s3 =	rddreg [dreg:$0x3];
	s4 =	srdreg.scid;
	s5 =	simm.s32 $0x0  }
0x5: {  	s12 =	stileid.u32;
	s17 =	simm.s32 $0x7;
	s18 =	simm.s32 $0x3E8  }
0x6: {  	s19 =	simm.s32 $0x7D0;
	s28 =	simm.s32 $0x10;
	s29 =	simm.s32 $0x80  }
0x7: {  	s30 =	simm.s32 $0x4;
	s31 =	simm.s32 $0x5;
	s4 =	sand.u32 $0x1, s4  }
0x8: {  	[smem:$0x7FF] =	sst s5;
	s7 =	sadd.s32 $0x2400, s0;
	s8 =	sadd.s32 $0x7400, s0  }
0x9: {  	s26 =	sshll.u32 s12, $0x3;
	s6 =	sshll.u32 s4, $0x4;
	_ =	strace $0x80000047  }
0xa: {  	s4 =	ssub.s32 $0x2, s4;
	s15 =	sand.u32 $0x70, s26;
	s6 =	sor.u32 s12, s6  }
0xb: {  	s26 =	simm.s32 $0x2;
	s10 =	sshrl.u32 s4, $0x1;
	s9 =	smul.u32 $0x3E8, s6  }
0xc: {  	s11 =	smul.u32 $0x7D, s6;
	s21 =	ssub.s32 s4, s10;
	s13 =	sor.u32 $0x40, s6  }
0xd: {  	s14 =	sor.u32 $0x60, s6;
	s0 =	smax.u32 s21, $0x1;
	s21 =	simm.s32 $0x84D0  }
0xe: {  	s22 =	sshrl.u32 s9, $0x3;
	s23 =	sadd.s32 s2, s11;
	[dreg:$0x9] =	wrdreg s0  }
.Ltmp0:
0xf: {  	s24 =	sadd.s32 s3, s11;
	[dreg:$0x5] =	wrdreg s23;
	(pc) =	sbr.rel .LBB2_1-.Ltmp0, $4  }
0x10: {  	s9 =	simm.s32 $0x0;
	[dreg:$0x6] =	wrdreg s24;
	s4 =	sadd.s32 $0xFA0, s22  }
0x11: {  	s22 =	simm.s32 $0x88B8;
	s23 =	simm.s32 $0x8CA0;
	s25 =	sadd.s32 s2, s4  }
0x12: {  	s24 =	simm.s32 $0xCB20;
	s4 =	sadd.s32 s3, s4;
	[dreg:$0x7] =	wrdreg s25  }
0x13: {  	[dreg:$0x8] =	wrdreg s4;
	s25 =	simm.s32 $0x1;
	s4 =	simm.s32 $0x6  }
.LBB2_8:
0x14: {  	s0 =	simm.s32 $0x3  }
0x15: {  	_ =	swait.ge [sflag:s0], $0x3E80  }
0x16: {  	[sflag:s0] =	ssyncset.done $0x0  }
0x17: {  	[sflag:s0] =	ssyncadd.s32 $0xFFFFC180  }
0x18: {  	_ =	swait.ge [sflag:s4], $0x3E80  }
0x19: {  	s9 =	rddreg [dreg:$0xa]  }
0x1a: {  	s20 =	rddreg [dreg:$0x9];
	s9 =	sadd.s32 $0x1, s9  }
0x1b: {  	p0 =	sne.s32 s9, s20  }
.Ltmp1:
0x1c: {  	_ = 	snop;
	(pc) =	sbr.rel @!p0 .LBB2_9-.Ltmp1, $3  }
0x1d: {  	_ =	sdelay $0x1  }
0x1e: {  	[sflag:s4] =	ssyncset.done $0x0  }
0x1f: {  	[sflag:s4] =	ssyncadd.s32 $0xFFFFC180  }
.LBB2_1:
0x20: {  	[dreg:$0xa] =	wrdreg s9  }
0x21: {  	s0 =	rddreg [dreg:$0x5]  }
0x22: {  	[tilespmem:s5], [sflag:$0x7] =	stream.linear.gather [hbm4b:s0+s5], $0x3E8, $0x38;
	[tilespmem:$0x109A0] =	vst v63  }
0x23: {  	_ =	swait.ge [sflag:s17], $0x3E8  }
0x24: {  	[sflag:s17] =	ssyncset.done $0x0  }
0x25: {  	s11 =	rddreg [dreg:$0x6];
	[sflag:s17] =	ssyncadd.s32 $0xFFFFFC18  }
0x26: {  	[tilespmem:s18], [sflag:$0x7] =	stream.linear.gather [hbm4b:s11+s5], $0x3E8, $0x38;
	[tilespmem:$0x109A0] =	vst v63  }
0x27: {  	_ =	swait.ge [sflag:s17], $0x3E8  }
0x28: {  	[sflag:s17] =	ssyncset.done $0x0  }
0x29: {  	[sflag:s17] =	ssyncadd.s32 $0xFFFFFC18  }
0x2a: {  	[tilespmem:s19], [sflag:$0x1] =	stream.indirect.gather [hbm4b:s1+s18], $0x10, s5, s18, $0xb8;
	[tilespmem:$0x109A0] =	vst v63  }
0x2b: {  	s12 =	simm.s32 $0x4650  }
0x2c: {  	[tilespmem:s12], [sflag:$0x2] =	stream.indirect.gather [hbm4b:s7+s18], $0x10, s18, s18, $0xb8;
	[tilespmem:$0x109A0] =	vst v63  }
0x2d: {  	s16 =	rddreg [dreg:$0x7]  }
0x2e: {  	[tilespmem:s21], [sflag:$0x7] =	stream.linear.gather [hbm4b:s16+s5], $0x3E8, $0x38;
	[tilespmem:$0x109A0] =	vst v63  }
0x2f: {  	_ =	swait.ge [sflag:s17], $0x3E8  }
0x30: {  	[sflag:s17] =	ssyncset.done $0x0  }
0x31: {  	s20 =	rddreg [dreg:$0x8];
	[sflag:s17] =	ssyncadd.s32 $0xFFFFFC18  }
0x32: {  	[tilespmem:s22], [sflag:$0x7] =	stream.linear.gather [hbm4b:s20+s5], $0x3E8, $0x38;
	[tilespmem:$0x109A0] =	vst v63  }
0x33: {  	_ =	swait.ge [sflag:s17], $0x3E8  }
0x34: {  	[sflag:s17] =	ssyncset.done $0x0  }
0x35: {  	[sflag:s17] =	ssyncadd.s32 $0xFFFFFC18  }
0x36: {  	[tilespmem:s23], [sflag:$0x4] =	stream.indirect.gather [hbm4b:s1+s18], $0x10, s21, s18, $0xb8;
	[tilespmem:$0x109A0] =	vst v63  }
0x37: {  	s9 =	simm.s32 $0x0  }
0x38: {  	[tilespmem:s24], [sflag:$0x5] =	stream.indirect.gather [hbm4b:s7+s18], $0x10, s22, s18, $0xb8;
	[tilespmem:$0x109A0] =	vst v63  }
.LBB2_2:
0x39: {  	_ =	swait.ge [sflag:s25], $0x3E80  }
0x3a: {  	[sflag:s25] =	ssyncset.done $0x0  }
0x3b: {  	[sflag:s25] =	ssyncadd.s32 $0xFFFFC180  }
0x3c: {  	_ =	swait.ge [sflag:s26], $0x3E80  }
0x3d: {  	[sflag:s26] =	ssyncset.done $0x0  }
0x3e: {  	s12 =	simm.s32 $0x0;
	[sflag:s26] =	ssyncadd.s32 $0xFFFFC180  }
0x3f: {  	v5 =	vld [tilespmem:s12+$0x4650]  }
0x40: {  	v6 =	vld [tilespmem:s12+$0x4660]  }
0x41: {  	v1 =	vld [tilespmem:s12+$0x4670]  }
0x42: {  	v0 =	vld [tilespmem:s12+$0x4680]  }
0x43: {  	v3 =	vld [tilespmem:s12+$0x7D0]  }
0x44: {  	v4 =	vld [tilespmem:s12+$0x7E0]  }
0x45: {  	s10 =	simm.s32 $0x100;
	v2 =	vld [tilespmem:s12+$0x7F0]  }
.LBB2_3:
0x46: {  	s11 =	sshra.s32 s10, $0x2;
	p0 =	sne.s32 s10, $0xF900;
	v7 =	vld [tilespmem:s12+$0x800];
	v8 =	vmov v1  }
0x47: {  	v9 =	vld [tilespmem:s11+$0x4650];
	v10 =	vmov v0  }
0x48: {  	v11 =	vld [tilespmem:s11+$0x4660];
	v3 =	vadd.f32 v5, v3  }
.Ltmp2:
0x49: {  	v1 =	vld [tilespmem:s11+$0x4670];
	v4 =	vadd.f32 v6, v4;
	(pc) =	sbr.rel @p0 .LBB2_3-.Ltmp2, $4  }
0x4a: {  	v0 =	vld [tilespmem:s11+$0x4680];
	[tilespmem:s12+$0x7D0] =	vst v3;
	v2 =	vadd.f32 v8, v2  }
0x4b: {  	v3 =	vld [tilespmem:s11+$0x7D0];
	[tilespmem:s12+$0x7E0] =	vst v4;
	v7 =	vadd.f32 v10, v7  }
0x4c: {  	v4 =	vld [tilespmem:s11+$0x7E0];
	[tilespmem:s12+$0x7F0] =	vst v2;
	v5 =	vmov v9  }
0x4d: {  	s10 =	sadd.s32 $0x100, s10;
	v2 =	vld [tilespmem:s11+$0x7F0];
	[tilespmem:s12+$0x800] =	vst v7;
	v6 =	vmov v11;
	s12 =	smov.u32 s11  }
0x4e: {  	s10 =	sshll.u32 s9, $0x6  }
0x4f: {  	s11 =	sor.u32 s6, s10  }
0x50: {  	s16 =	smul.u32 $0x3E8, s11;
	_ =	sdelay $0x1  }
0x51: {  	s0 =	smulhi.u32 $0x10624DD3, s16;
	_ =	sdelay $0x1  }
0x52: {  	s0 =	sshrl.u32 s0, $0x7  }
0x53: {  	v7 =	vld [tilespmem:s12+$0x800];
	s20 =	sshrl.u32 s11, $0x4;
	s0 =	smul.u32 $0x7D0, s0  }
0x54: {  	s20 =	smul.u32 $0x7D0, s20  }
0x55: {  	v3 =	vadd.f32 v5, v3;
	s0 =	ssub.s32 s16, s0  }
0x56: {  	v4 =	vadd.f32 v6, v4;
	s0 =	sadd.s32 s0, s20  }
0x57: {  	[tilespmem:s12+$0x7D0] =	vst v3;
	v1 =	vadd.f32 v1, v2;
	s0 =	sshll.u32 s0, $0x7  }
0x58: {  	[tilespmem:s12+$0x7E0] =	vst v4;
	v0 =	vadd.f32 v0, v7;
	s0 =	sor.u32 s15, s0  }
0x59: {  	[tilespmem:s12+$0x7F0] =	vst v1;
	s0 =	sshrl.u32 s0, $0x3  }
0x5a: {  	p0 =	seq.s32 s9, $0x4;
	[tilespmem:s12+$0x800] =	vst v0;
	s0 =	sadd.s32 s8, s0  }
0x5b: {  	[hbm4b:s0+s28] =	stream.strided.scatter [tilespmem:s19], [sflag:$0x3], $0x3E80, s29, s28, $0x38;
	[tilespmem:$0x109A0] =	vst v63  }
0x5c: {  	s12 =	sadd.s32 @!p0 s13, s10;
	s0 =	simm.s32 @!p0 $0x3  }
0x5d: {  	s12 =	smul.u32 @!p0 $0x7D, s12;
	_ =	swait.ge @!p0 [sflag:s0], $0x3E80  }
0x5e: {  	[sflag:s0] =	ssyncset.done @!p0 $0x0  }
0x5f: {  	s16 =	simm.s32 @!p0 $0x0;
	[sflag:s0] =	ssyncadd.s32 @!p0 $0xFFFFC180;
	s0 =	sadd.s32 @!p0 s2, s12  }
0x60: {  	[tilespmem:s16], [sflag:$0x7] =	stream.linear.gather @!p0 [hbm4b:s0+s16], $0x3E8, $0x38;
	[tilespmem:$0x109A0] =	vst v63  }
0x61: {  	s0 =	simm.s32 @!p0 $0x7  }
0x62: {  	_ =	swait.ge @!p0 [sflag:s0], $0x3E8  }
0x63: {  	[sflag:s0] =	ssyncset.done @!p0 $0x0  }
0x64: {  	s20 =	simm.s32 @!p0 $0x3E8;
	s12 =	sadd.s32 @!p0 s3, s12;
	[sflag:s0] =	ssyncadd.s32 @!p0 $0xFFFFFC18  }
0x65: {  	[tilespmem:s20], [sflag:$0x7] =	stream.linear.gather @!p0 [hbm4b:s12+s16], $0x3E8, $0x38;
	[tilespmem:$0x109A0] =	vst v63  }
0x66: {  	_ =	swait.ge @!p0 [sflag:s0], $0x3E8  }
0x67: {  	[sflag:s0] =	ssyncset.done @!p0 $0x0  }
0x68: {  	[sflag:s0] =	ssyncadd.s32 @!p0 $0xFFFFFC18;
	s0 =	simm.s32 @!p0 $0x7D0  }
0x69: {  	[tilespmem:s0], [sflag:$0x1] =	stream.indirect.gather @!p0 [hbm4b:s1+s20], $0x10, s16, s20, $0xb8;
	[tilespmem:$0x109A0] =	vst v63  }
0x6a: {  	s0 =	simm.s32 @!p0 $0x4650  }
0x6b: {  	[tilespmem:s0], [sflag:$0x2] =	stream.indirect.gather @!p0 [hbm4b:s7+s20], $0x10, s20, s20, $0xb8;
	[tilespmem:$0x109A0] =	vst v63  }
0x6c: {  	_ =	swait.ge [sflag:s30], $0x3E80  }
0x6d: {  	[sflag:s30] =	ssyncset.done $0x0  }
0x6e: {  	[sflag:s30] =	ssyncadd.s32 $0xFFFFC180  }
0x6f: {  	_ =	swait.ge [sflag:s31], $0x3E80  }
0x70: {  	[sflag:s31] =	ssyncset.done $0x0  }
0x71: {  	s12 =	simm.s32 $0x0;
	[sflag:s31] =	ssyncadd.s32 $0xFFFFC180  }
0x72: {  	v5 =	vld [tilespmem:s12+$0xCB20]  }
0x73: {  	v6 =	vld [tilespmem:s12+$0xCB30]  }
0x74: {  	v1 =	vld [tilespmem:s12+$0xCB40]  }
0x75: {  	v0 =	vld [tilespmem:s12+$0xCB50]  }
0x76: {  	v3 =	vld [tilespmem:s12+$0x8CA0]  }
0x77: {  	v4 =	vld [tilespmem:s12+$0x8CB0]  }
0x78: {  	s16 =	simm.s32 $0x100;
	v2 =	vld [tilespmem:s12+$0x8CC0]  }
.LBB2_5:
0x79: {  	s0 =	sshra.s32 s16, $0x2;
	p1 =	sne.s32 s16, $0xF900;
	v7 =	vld [tilespmem:s12+$0x8CD0];
	v8 =	vmov v1  }
0x7a: {  	v9 =	vld [tilespmem:s0+$0xCB20];
	v10 =	vmov v0  }
0x7b: {  	v11 =	vld [tilespmem:s0+$0xCB30];
	v3 =	vadd.f32 v5, v3  }
.Ltmp3:
0x7c: {  	v1 =	vld [tilespmem:s0+$0xCB40];
	v4 =	vadd.f32 v6, v4;
	(pc) =	sbr.rel @p1 .LBB2_5-.Ltmp3, $4  }
0x7d: {  	v0 =	vld [tilespmem:s0+$0xCB50];
	[tilespmem:s12+$0x8CA0] =	vst v3;
	v2 =	vadd.f32 v8, v2  }
0x7e: {  	v3 =	vld [tilespmem:s0+$0x8CA0];
	[tilespmem:s12+$0x8CB0] =	vst v4;
	v7 =	vadd.f32 v10, v7  }
0x7f: {  	v4 =	vld [tilespmem:s0+$0x8CB0];
	[tilespmem:s12+$0x8CC0] =	vst v2;
	v5 =	vmov v9  }
0x80: {  	s16 =	sadd.s32 $0x100, s16;
	v2 =	vld [tilespmem:s0+$0x8CC0];
	[tilespmem:s12+$0x8CD0] =	vst v7;
	v6 =	vmov v11;
	s12 =	smov.u32 s0  }
0x81: {  	s0 =	sor.u32 $0x20, s11  }
0x82: {  	s11 =	smul.u32 $0x3E8, s0;
	_ =	sdelay $0x1  }
0x83: {  	s16 =	smulhi.u32 $0x10624DD3, s11;
	_ =	sdelay $0x1  }
0x84: {  	s16 =	sshrl.u32 s16, $0x7  }
0x85: {  	v7 =	vld [tilespmem:s12+$0x8CD0];
	s0 =	sshrl.u32 s0, $0x4;
	s16 =	smul.u32 $0x7D0, s16  }
0x86: {  	s0 =	smul.u32 $0x7D0, s0  }
0x87: {  	v3 =	vadd.f32 v5, v3;
	s11 =	ssub.s32 s11, s16  }
0x88: {  	v4 =	vadd.f32 v6, v4;
	s0 =	sadd.s32 s11, s0  }
.Ltmp4:
0x89: {  	[tilespmem:s12+$0x8CA0] =	vst v3;
	v1 =	vadd.f32 v1, v2;
	s0 =	sshll.u32 s0, $0x7;
	(pc) =	sbr.rel @p0 .LBB2_8-.Ltmp4, $4  }
0x8a: {  	[tilespmem:s12+$0x8CB0] =	vst v4;
	v0 =	vadd.f32 v0, v7;
	s0 =	sor.u32 s15, s0  }
0x8b: {  	[tilespmem:s12+$0x8CC0] =	vst v1;
	s0 =	sshrl.u32 s0, $0x3  }
0x8c: {  	[tilespmem:s12+$0x8CD0] =	vst v0;
	s0 =	sadd.s32 s8, s0  }
0x8d: {  	[hbm4b:s0+s28] =	stream.strided.scatter [tilespmem:s23], [sflag:$0x6], $0x3E80, s29, s28, $0x38;
	[tilespmem:$0x109A0] =	vst v63  }
0x8e: {  	s0 =	sadd.s32 s14, s10  }
0x8f: {  	_ =	swait.ge [sflag:s4], $0x3E80;
	s0 =	smul.u32 $0x7D, s0  }
0x90: {  	[sflag:s4] =	ssyncset.done $0x0  }
0x91: {  	[sflag:s4] =	ssyncadd.s32 $0xFFFFC180;
	s20 =	sadd.s32 s2, s0  }
0x92: {  	[tilespmem:s21], [sflag:$0x7] =	stream.linear.gather [hbm4b:s20+s5], $0x3E8, $0x38;
	[tilespmem:$0x109A0] =	vst v63  }
0x93: {  	_ =	swait.ge [sflag:s17], $0x3E8  }
0x94: {  	[sflag:s17] =	ssyncset.done $0x0  }
0x95: {  	s0 =	sadd.s32 s3, s0;
	[sflag:s17] =	ssyncadd.s32 $0xFFFFFC18  }
0x96: {  	[tilespmem:s22], [sflag:$0x7] =	stream.linear.gather [hbm4b:s0+s5], $0x3E8, $0x38;
	[tilespmem:$0x109A0] =	vst v63  }
0x97: {  	_ =	swait.ge [sflag:s17], $0x3E8  }
.Ltmp5:
0x98: {  	[sflag:s17] =	ssyncset.done $0x0;
	(pc) =	sbr.rel .LBB2_2-.Ltmp5, $4  }
0x99: {  	[sflag:s17] =	ssyncadd.s32 $0xFFFFFC18  }
0x9a: {  	[tilespmem:s23], [sflag:$0x4] =	stream.indirect.gather [hbm4b:s1+s18], $0x10, s21, s18, $0xb8;
	[tilespmem:$0x109A0] =	vst v63  }
0x9b: {  	s9 =	sadd.s32 $0x1, s9  }
0x9c: {  	[tilespmem:s24], [sflag:$0x5] =	stream.indirect.gather [hbm4b:s7+s18], $0x10, s22, s18, $0xb8;
	[tilespmem:$0x109A0] =	vst v63  }
.LBB2_9:
0x9d: {  	_ =	sfence.sel $0x180000  }
0x9e: {  	[bflag:$0x0] =	sbarrier.arrive $0xFFFF  }
0x9f: {  	_ =	strace $0x90000047  }
0xa0: {  	s0 =	stileid.u32;
	[bflag:$0x2] =	sbarrier.arrive $0xFFFF  }
0xa1: {  	p0 =	sne.s32 s0, $0x0;
	s0 =	rddreg [dreg:$0x4]  }
0xa2: {  	s0 =	sadd.s32 @!p0 $0x100000, s0  }
0xa3: {  	[sflag:s0] =	ssyncadd.tile.s32 @!p0 $0x1;
	_ =	shalt  }
.Lfunc_end2:
_tile_overlayer_lowered:
.L_overlay_start_2:
0xa4: {  	(tag) =	ssettag $0x2  }
0xa5: {  	s0 =	rddreg [dreg:$0x0];
	s2 =	stileid.u32  }
0xa6: {  	s1 =	rddreg [dreg:$0x1];
	p0 =	sne.s32 s2, $0x0  }
0xa7: {  	s3 =	rddreg [dreg:$0x2];
	[bflag:$0x3] =	sbarrier.arrive $0xFFFF;
	s2 =	simm.s32 @!p0 $0x1C07  }
0xa8: {  	[timem:s3], [sflag:s2] =	dma.local @!p0 [hbm:s0], s1  }
0xa9: {  	s0 =	simm.s32 @!p0 $0x7  }
0xaa: {  	_ =	swait.ge @!p0 [sflag:s0], s1  }
0xab: {  	s1 =	ssub.s32 @!p0 $0x0, s1;
	[sflag:s0] =	ssyncset.done @!p0 $0x0  }
0xac: {  	[sflag:s0] =	ssyncadd.s32 @!p0 s1  }
0xad: {  	[bflag:$0x3] =	sbarrier.arrive $0xFFFF  }
0xae: {  	_ =	shalt  }

</sc_bundles>
